<compile_context>
chip_gen: v7x
topology: tpu7x:2x2x1
jax: 0.10.2.dev20260603
libtpu: 0.0.44.dev20260713+nightly
codegen_flags: <defaults>
</compile_context>

<pallas_src>
import functools

import jax
import jax.numpy as jnp
from jax import lax
from jax.experimental import pallas as pl
from jax.experimental.pallas import tpu as pltpu
from jax.experimental.pallas import tpu_sc as plsc

_D = 256
_N = 8192
_B = 16384
_MB = 512
_NB = 2048
_NW = 32
_CH = 128


_SEG = (0, 2736, 5472, _N)


def _assign_body(s1_ref, flat_ref, cbt_ref, s2_ref, out_ref):
    m = pl.program_id(0)
    row0 = m * _MB
    flat = flat_ref[pl.ds(row0, _MB), :]
    s1 = s1_ref[pl.ds(row0, _MB), :]

    vs = [jnp.full((_MB, 1), jnp.inf, jnp.float32) for _ in range(3)]
    is_ = [jnp.zeros((_MB, 1), jnp.int32) for _ in range(3)]

    for k in range(_N // _NB):
        c0 = k * _NB
        mm = lax.dot_general(flat, cbt_ref[:, c0:c0 + _NB],
                             (((1,), (0,)), ((), ())),
                             preferred_element_type=jnp.float32)
        d = s1 - 2.0 * mm + s2_ref[:, c0:c0 + _NB]
        col = lax.broadcasted_iota(jnp.int32, (_MB, _NB), 1) + c0
        for s in range(3):
            lo, hi = _SEG[s], _SEG[s + 1]
            if hi <= c0 or lo >= c0 + _NB:
                continue
            if lo <= c0 and hi >= c0 + _NB:
                dm = d
            else:
                msk = (col >= lo) & (col < hi)
                dm = jnp.where(msk, d, jnp.inf)
            cmin = jnp.min(dm, axis=1, keepdims=True)
            cidx = jnp.min(jnp.where(dm == cmin, col, jnp.int32(_N)),
                           axis=1, keepdims=True)
            upd = cmin < vs[s]
            is_[s] = jnp.where(upd, cidx, is_[s])
            vs[s] = jnp.where(upd, cmin, vs[s])

    v = vs[0].astype(jnp.bfloat16).astype(jnp.float32)
    i = is_[0]
    keep = v <= vs[1]
    v = jnp.where(keep, v, vs[1])
    i = jnp.where(keep, i, is_[1])
    v = v.astype(jnp.bfloat16).astype(jnp.float32)
    keep = v <= vs[2]
    i = jnp.where(keep, i, is_[2])
    out_ref[...] = i


def _assign(s1, flat16, cbt16, s2):
    return pl.pallas_call(
        _assign_body,
        grid=(_B // _MB,),
        in_specs=[
            pl.BlockSpec((_B, 1), lambda m: (0, 0)),
            pl.BlockSpec((_B, _D), lambda m: (0, 0)),
            pl.BlockSpec((_D, _N), lambda m: (0, 0)),
            pl.BlockSpec((1, _N), lambda m: (0, 0)),
        ],
        out_specs=pl.BlockSpec((_MB, 1), lambda m: (m, 0)),
        out_shape=jax.ShapeDtypeStruct((_B, 1), jnp.int32),
    )(s1, flat16, cbt16, s2)


def _gather(codebook, idx):
    bpw = _B // _NW
    mesh = plsc.VectorSubcoreMesh(core_axis_name="c", subcore_axis_name="s",
                                  num_cores=2, num_subcores=16)

    @functools.partial(
        pl.kernel,
        out_type=jax.ShapeDtypeStruct((_B, _D), jnp.float32),
        mesh=mesh,
        scratch_types=[
            pltpu.VMEM((bpw,), jnp.int32),
            pltpu.VMEM((_CH, _D), jnp.float32),
            pltpu.SemaphoreType.DMA,
        ],
    )
    def gk(table_hbm, idx_hbm, out_hbm, idx_v, rows_v, sem):
        wid = lax.axis_index("s") * 2 + lax.axis_index("c")
        base = wid * bpw
        pltpu.sync_copy(idx_hbm.at[pl.ds(base, bpw)], idx_v)
        for c in range(bpw // _CH):
            pltpu.async_copy(
                table_hbm.at[idx_v.at[pl.ds(c * _CH, _CH)]], rows_v, sem
            ).wait()
            pltpu.sync_copy(rows_v, out_hbm.at[pl.ds(base + c * _CH, _CH)])

    return gk(codebook, idx)


def kernel(codes, codebook):
    shape = codes.shape
    flat = codes.reshape(-1, _D)
    cb_t = codebook.T
    s1 = jnp.sum(flat ** 2, axis=1, keepdims=True)
    s2 = jnp.sum(cb_t ** 2, axis=0, keepdims=True)
    flat16 = flat.astype(jnp.bfloat16)
    cbt16 = cb_t.astype(jnp.bfloat16)
    idx = _assign(s1, flat16, cbt16, s2)
    nearest = _gather(codebook, idx.reshape(-1)).reshape(shape)
    return codes + lax.stop_gradient(nearest - codes)

# --- scband reference (transcript-rebuilt; emitter-appended) ---
"""Pipeline reference for scband-vector-quantizer-2645699854569 (READ-ONLY COPY).

The authoritative reference and input builder live on the scoring server;
editing this copy changes nothing except your own understanding.
"""

import jax, jax.numpy as jnp
import numpy as np

N_CODES = 8192
CODE_SIZE = 256

def setup_inputs(seed: int = 0) -> dict:
    key = jax.random.key(seed)
    k1, k2 = jax.random.split(key)
    codes = jax.random.normal(k1, (16, 1024, CODE_SIZE), dtype=jnp.float32)
    # keras variance_scaling(distribution='uniform'), fan_in = n_codes for [n_codes, code_size]
    limit = float(np.sqrt(3.0 / N_CODES))
    codebook = jax.random.uniform(k2, (N_CODES, CODE_SIZE), minval=-limit, maxval=limit, dtype=jnp.float32)
    return {"codes": codes, "codebook": codebook}

def reference(codes, codebook):
    input_shape = codes.shape
    flat = codes.reshape(-1, CODE_SIZE)
    cb_t = codebook.T  # [code_size, n_codes]
    # distances = ||c||^2 - 2 c.W^T + ||w||^2  (same math as the TF module)
    distances = (jnp.sum(flat ** 2, axis=1, keepdims=True)
                 - 2.0 * (flat @ cb_t)
                 + jnp.sum(cb_t ** 2, axis=0, keepdims=True))
    assignments = jnp.argmax(-distances, axis=1)
    assignments = assignments.reshape(input_shape[:-1])
    # embedding_lookup of nearest codebook entries
    nearest = jnp.take(codebook, assignments, axis=0)
    # VectorQuantized sample == straight-through estimator output
    quantized = codes + jax.lax.stop_gradient(nearest - codes)
    return quantized

if __name__ == "__main__":
    import jax
    _d = setup_inputs()
    print(jax.jit(kernel)(*tuple(_d.values())))

</pallas_src>

<mosaic_0001>
#map = affine_map<(d0, d1) -> (0, 0)>
#map1 = affine_map<(d0, d1) -> (0)>
module attributes {stable_mosaic.version = 14 : i64} {
  func.func @gk(%arg0: i32, %arg1: i32, %arg2: memref<8192x256xf32, #tpu.memory_space<hbm>>, %arg3: memref<16384xi32, #tpu.memory_space<hbm>>, %arg4: memref<16384x256xf32, #tpu.memory_space<hbm>>, %arg5: memref<512xi32, #tpu.memory_space<vmem>>, %arg6: memref<128x256xf32, #tpu.memory_space<vmem>>, %arg7: memref<!tpu.dma_semaphore, #tpu.memory_space<semaphore_mem>>) attributes {dimension_semantics = [#tpu.dimension_semantics<core_parallel>, #tpu.dimension_semantics<subcore_parallel>], iteration_bounds = array<i64: 2, 16>, scalar_prefetch = 0 : i64, scratch_operands = 3 : i64, tpu.core_type = #tpu.core_type<sc_vector_subcore>, window_params = [{transform_indices = #map}, {transform_indices = #map1}, {transform_indices = #map}]} {
    %mul3A = arith.constant 2 : i32
    %mul3A_0 = arith.muli %arg1, %mul3A : i32
    %add3A = arith.addi %mul3A_0, %arg0 : i32
    %mul3A_1 = arith.constant 512 : i32
    %mul3A_2 = arith.muli %add3A, %mul3A_1 : i32
    "tpu.region"() ({
      %run_scoped3A = tpu.sem_alloc : memref<!tpu.dma_semaphore, #tpu.memory_space<semaphore_mem>>
      %dma_start3A_49 = tpu.memref_slice %arg3[%mul3A_2] : memref<16384xi32, #tpu.memory_space<hbm>> -> memref<512xi32, #tpu.memory_space<hbm>>
      %dma_start3A_50 = tpu.memref_slice %arg3[%mul3A_2] : memref<16384xi32, #tpu.memory_space<hbm>> -> memref<512xi32, #tpu.memory_space<hbm>>
      tpu.enqueue_dma source(%dma_start3A_50 : memref<512xi32, #tpu.memory_space<hbm>>) target(%arg5 : memref<512xi32, #tpu.memory_space<vmem>>) target_semaphore(%run_scoped3A : memref<!tpu.dma_semaphore, #tpu.memory_space<semaphore_mem>>)
      %dma_wait3A_51 = tpu.memref_slice %arg3[%mul3A_2] : memref<16384xi32, #tpu.memory_space<hbm>> -> memref<512xi32, #tpu.memory_space<hbm>>
      %dma_wait3A_52 = tpu.memref_slice %arg3[%mul3A_2] : memref<16384xi32, #tpu.memory_space<hbm>> -> memref<512xi32, #tpu.memory_space<hbm>>
      tpu.wait_dma2 semaphore(%run_scoped3A : memref<!tpu.dma_semaphore, #tpu.memory_space<semaphore_mem>>) src(%dma_wait3A_52 : memref<512xi32, #tpu.memory_space<hbm>>) dst(%arg5 : memref<512xi32, #tpu.memory_space<vmem>>)
      tpu.yield
    }) : () -> ()
    %dma_start3A = arith.constant 0 : i32
    %dma_start3A_3 = tpu.memref_slice %arg5[%dma_start3A] : memref<512xi32, #tpu.memory_space<vmem>> -> memref<128xi32, #tpu.memory_space<vmem>>
    %dma_start3A_4 = arith.constant 0 : i32
    %dma_start3A_5 = arith.constant 0 : i32
    %dma_start3A_6 = tpu.memref_slice %arg2[%dma_start3A_4, %dma_start3A_5] : memref<8192x256xf32, #tpu.memory_space<hbm>> -> memref<8192x256xf32, #tpu.memory_space<hbm>>
    tpu.enqueue_indirect_dma source(%dma_start3A_6 : memref<8192x256xf32, #tpu.memory_space<hbm>>) target(%arg6 : memref<128x256xf32, #tpu.memory_space<vmem>>) offsets(%dma_start3A_3 : memref<128xi32, #tpu.memory_space<vmem>>) semaphore(%arg7 : memref<!tpu.dma_semaphore, #tpu.memory_space<semaphore_mem>>)
    %dma_wait3A = arith.constant 0 : i32
    %dma_wait3A_7 = tpu.memref_slice %arg5[%dma_wait3A] : memref<512xi32, #tpu.memory_space<vmem>> -> memref<128xi32, #tpu.memory_space<vmem>>
    %dma_wait3A_8 = arith.constant 0 : i32
    %dma_wait3A_9 = arith.constant 0 : i32
    %dma_wait3A_10 = tpu.memref_slice %arg2[%dma_wait3A_8, %dma_wait3A_9] : memref<8192x256xf32, #tpu.memory_space<hbm>> -> memref<8192x256xf32, #tpu.memory_space<hbm>>
    tpu.wait_indirect_dma semaphore(%arg7 : memref<!tpu.dma_semaphore, #tpu.memory_space<semaphore_mem>>) src(%dma_wait3A_10 : memref<8192x256xf32, #tpu.memory_space<hbm>>) dst(%arg6 : memref<128x256xf32, #tpu.memory_space<vmem>>)
    %add3A_11 = arith.constant 0 : i32
    %add3A_12 = arith.addi %mul3A_2, %add3A_11 : i32
    "tpu.region"() ({
      %run_scoped3A = tpu.sem_alloc : memref<!tpu.dma_semaphore, #tpu.memory_space<semaphore_mem>>
      %dma_start3A_49 = arith.constant 0 : i32
      %dma_start3A_50 = tpu.memref_slice %arg4[%add3A_12, %dma_start3A_49] : memref<16384x256xf32, #tpu.memory_space<hbm>> -> memref<128x256xf32, #tpu.memory_space<hbm>>
      %dma_start3A_51 = arith.constant 0 : i32
      %dma_start3A_52 = tpu.memref_slice %arg4[%add3A_12, %dma_start3A_51] : memref<16384x256xf32, #tpu.memory_space<hbm>> -> memref<128x256xf32, #tpu.memory_space<hbm>>
      tpu.enqueue_dma source(%arg6 : memref<128x256xf32, #tpu.memory_space<vmem>>) target(%dma_start3A_52 : memref<128x256xf32, #tpu.memory_space<hbm>>) target_semaphore(%run_scoped3A : memref<!tpu.dma_semaphore, #tpu.memory_space<semaphore_mem>>)
      %dma_wait3A_53 = arith.constant 0 : i32
      %dma_wait3A_54 = tpu.memref_slice %arg4[%add3A_12, %dma_wait3A_53] : memref<16384x256xf32, #tpu.memory_space<hbm>> -> memref<128x256xf32, #tpu.memory_space<hbm>>
      %dma_wait3A_55 = arith.constant 0 : i32
      %dma_wait3A_56 = tpu.memref_slice %arg4[%add3A_12, %dma_wait3A_55] : memref<16384x256xf32, #tpu.memory_space<hbm>> -> memref<128x256xf32, #tpu.memory_space<hbm>>
      tpu.wait_dma2 semaphore(%run_scoped3A : memref<!tpu.dma_semaphore, #tpu.memory_space<semaphore_mem>>) src(%arg6 : memref<128x256xf32, #tpu.memory_space<vmem>>) dst(%dma_wait3A_56 : memref<128x256xf32, #tpu.memory_space<hbm>>)
      tpu.yield
    }) : () -> ()
    %dma_start3A_13 = arith.constant 128 : i32
    %dma_start3A_14 = tpu.memref_slice %arg5[%dma_start3A_13] : memref<512xi32, #tpu.memory_space<vmem>> -> memref<128xi32, #tpu.memory_space<vmem>>
    %dma_start3A_15 = arith.constant 0 : i32
    %dma_start3A_16 = arith.constant 0 : i32
    %dma_start3A_17 = tpu.memref_slice %arg2[%dma_start3A_15, %dma_start3A_16] : memref<8192x256xf32, #tpu.memory_space<hbm>> -> memref<8192x256xf32, #tpu.memory_space<hbm>>
    tpu.enqueue_indirect_dma source(%dma_start3A_17 : memref<8192x256xf32, #tpu.memory_space<hbm>>) target(%arg6 : memref<128x256xf32, #tpu.memory_space<vmem>>) offsets(%dma_start3A_14 : memref<128xi32, #tpu.memory_space<vmem>>) semaphore(%arg7 : memref<!tpu.dma_semaphore, #tpu.memory_space<semaphore_mem>>)
    %dma_wait3A_18 = arith.constant 128 : i32
    %dma_wait3A_19 = tpu.memref_slice %arg5[%dma_wait3A_18] : memref<512xi32, #tpu.memory_space<vmem>> -> memref<128xi32, #tpu.memory_space<vmem>>
    %dma_wait3A_20 = arith.constant 0 : i32
    %dma_wait3A_21 = arith.constant 0 : i32
    %dma_wait3A_22 = tpu.memref_slice %arg2[%dma_wait3A_20, %dma_wait3A_21] : memref<8192x256xf32, #tpu.memory_space<hbm>> -> memref<8192x256xf32, #tpu.memory_space<hbm>>
    tpu.wait_indirect_dma semaphore(%arg7 : memref<!tpu.dma_semaphore, #tpu.memory_space<semaphore_mem>>) src(%dma_wait3A_22 : memref<8192x256xf32, #tpu.memory_space<hbm>>) dst(%arg6 : memref<128x256xf32, #tpu.memory_space<vmem>>)
    %add3A_23 = arith.constant 128 : i32
    %add3A_24 = arith.addi %mul3A_2, %add3A_23 : i32
    "tpu.region"() ({
      %run_scoped3A = tpu.sem_alloc : memref<!tpu.dma_semaphore, #tpu.memory_space<semaphore_mem>>
      %dma_start3A_49 = arith.constant 0 : i32
      %dma_start3A_50 = tpu.memref_slice %arg4[%add3A_24, %dma_start3A_49] : memref<16384x256xf32, #tpu.memory_space<hbm>> -> memref<128x256xf32, #tpu.memory_space<hbm>>
      %dma_start3A_51 = arith.constant 0 : i32
      %dma_start3A_52 = tpu.memref_slice %arg4[%add3A_24, %dma_start3A_51] : memref<16384x256xf32, #tpu.memory_space<hbm>> -> memref<128x256xf32, #tpu.memory_space<hbm>>
      tpu.enqueue_dma source(%arg6 : memref<128x256xf32, #tpu.memory_space<vmem>>) target(%dma_start3A_52 : memref<128x256xf32, #tpu.memory_space<hbm>>) target_semaphore(%run_scoped3A : memref<!tpu.dma_semaphore, #tpu.memory_space<semaphore_mem>>)
      %dma_wait3A_53 = arith.constant 0 : i32
      %dma_wait3A_54 = tpu.memref_slice %arg4[%add3A_24, %dma_wait3A_53] : memref<16384x256xf32, #tpu.memory_space<hbm>> -> memref<128x256xf32, #tpu.memory_space<hbm>>
      %dma_wait3A_55 = arith.constant 0 : i32
      %dma_wait3A_56 = tpu.memref_slice %arg4[%add3A_24, %dma_wait3A_55] : memref<16384x256xf32, #tpu.memory_space<hbm>> -> memref<128x256xf32, #tpu.memory_space<hbm>>
      tpu.wait_dma2 semaphore(%run_scoped3A : memref<!tpu.dma_semaphore, #tpu.memory_space<semaphore_mem>>) src(%arg6 : memref<128x256xf32, #tpu.memory_space<vmem>>) dst(%dma_wait3A_56 : memref<128x256xf32, #tpu.memory_space<hbm>>)
      tpu.yield
    }) : () -> ()
    %dma_start3A_25 = arith.constant 256 : i32
    %dma_start3A_26 = tpu.memref_slice %arg5[%dma_start3A_25] : memref<512xi32, #tpu.memory_space<vmem>> -> memref<128xi32, #tpu.memory_space<vmem>>
    %dma_start3A_27 = arith.constant 0 : i32
    %dma_start3A_28 = arith.constant 0 : i32
    %dma_start3A_29 = tpu.memref_slice %arg2[%dma_start3A_27, %dma_start3A_28] : memref<8192x256xf32, #tpu.memory_space<hbm>> -> memref<8192x256xf32, #tpu.memory_space<hbm>>
    tpu.enqueue_indirect_dma source(%dma_start3A_29 : memref<8192x256xf32, #tpu.memory_space<hbm>>) target(%arg6 : memref<128x256xf32, #tpu.memory_space<vmem>>) offsets(%dma_start3A_26 : memref<128xi32, #tpu.memory_space<vmem>>) semaphore(%arg7 : memref<!tpu.dma_semaphore, #tpu.memory_space<semaphore_mem>>)
    %dma_wait3A_30 = arith.constant 256 : i32
    %dma_wait3A_31 = tpu.memref_slice %arg5[%dma_wait3A_30] : memref<512xi32, #tpu.memory_space<vmem>> -> memref<128xi32, #tpu.memory_space<vmem>>
    %dma_wait3A_32 = arith.constant 0 : i32
    %dma_wait3A_33 = arith.constant 0 : i32
    %dma_wait3A_34 = tpu.memref_slice %arg2[%dma_wait3A_32, %dma_wait3A_33] : memref<8192x256xf32, #tpu.memory_space<hbm>> -> memref<8192x256xf32, #tpu.memory_space<hbm>>
    tpu.wait_indirect_dma semaphore(%arg7 : memref<!tpu.dma_semaphore, #tpu.memory_space<semaphore_mem>>) src(%dma_wait3A_34 : memref<8192x256xf32, #tpu.memory_space<hbm>>) dst(%arg6 : memref<128x256xf32, #tpu.memory_space<vmem>>)
    %add3A_35 = arith.constant 256 : i32
    %add3A_36 = arith.addi %mul3A_2, %add3A_35 : i32
    "tpu.region"() ({
      %run_scoped3A = tpu.sem_alloc : memref<!tpu.dma_semaphore, #tpu.memory_space<semaphore_mem>>
      %dma_start3A_49 = arith.constant 0 : i32
      %dma_start3A_50 = tpu.memref_slice %arg4[%add3A_36, %dma_start3A_49] : memref<16384x256xf32, #tpu.memory_space<hbm>> -> memref<128x256xf32, #tpu.memory_space<hbm>>
      %dma_start3A_51 = arith.constant 0 : i32
      %dma_start3A_52 = tpu.memref_slice %arg4[%add3A_36, %dma_start3A_51] : memref<16384x256xf32, #tpu.memory_space<hbm>> -> memref<128x256xf32, #tpu.memory_space<hbm>>
      tpu.enqueue_dma source(%arg6 : memref<128x256xf32, #tpu.memory_space<vmem>>) target(%dma_start3A_52 : memref<128x256xf32, #tpu.memory_space<hbm>>) target_semaphore(%run_scoped3A : memref<!tpu.dma_semaphore, #tpu.memory_space<semaphore_mem>>)
      %dma_wait3A_53 = arith.constant 0 : i32
      %dma_wait3A_54 = tpu.memref_slice %arg4[%add3A_36, %dma_wait3A_53] : memref<16384x256xf32, #tpu.memory_space<hbm>> -> memref<128x256xf32, #tpu.memory_space<hbm>>
      %dma_wait3A_55 = arith.constant 0 : i32
      %dma_wait3A_56 = tpu.memref_slice %arg4[%add3A_36, %dma_wait3A_55] : memref<16384x256xf32, #tpu.memory_space<hbm>> -> memref<128x256xf32, #tpu.memory_space<hbm>>
      tpu.wait_dma2 semaphore(%run_scoped3A : memref<!tpu.dma_semaphore, #tpu.memory_space<semaphore_mem>>) src(%arg6 : memref<128x256xf32, #tpu.memory_space<vmem>>) dst(%dma_wait3A_56 : memref<128x256xf32, #tpu.memory_space<hbm>>)
      tpu.yield
    }) : () -> ()
    %dma_start3A_37 = arith.constant 384 : i32
    %dma_start3A_38 = tpu.memref_slice %arg5[%dma_start3A_37] : memref<512xi32, #tpu.memory_space<vmem>> -> memref<128xi32, #tpu.memory_space<vmem>>
    %dma_start3A_39 = arith.constant 0 : i32
    %dma_start3A_40 = arith.constant 0 : i32
    %dma_start3A_41 = tpu.memref_slice %arg2[%dma_start3A_39, %dma_start3A_40] : memref<8192x256xf32, #tpu.memory_space<hbm>> -> memref<8192x256xf32, #tpu.memory_space<hbm>>
    tpu.enqueue_indirect_dma source(%dma_start3A_41 : memref<8192x256xf32, #tpu.memory_space<hbm>>) target(%arg6 : memref<128x256xf32, #tpu.memory_space<vmem>>) offsets(%dma_start3A_38 : memref<128xi32, #tpu.memory_space<vmem>>) semaphore(%arg7 : memref<!tpu.dma_semaphore, #tpu.memory_space<semaphore_mem>>)
    %dma_wait3A_42 = arith.constant 384 : i32
    %dma_wait3A_43 = tpu.memref_slice %arg5[%dma_wait3A_42] : memref<512xi32, #tpu.memory_space<vmem>> -> memref<128xi32, #tpu.memory_space<vmem>>
    %dma_wait3A_44 = arith.constant 0 : i32
    %dma_wait3A_45 = arith.constant 0 : i32
    %dma_wait3A_46 = tpu.memref_slice %arg2[%dma_wait3A_44, %dma_wait3A_45] : memref<8192x256xf32, #tpu.memory_space<hbm>> -> memref<8192x256xf32, #tpu.memory_space<hbm>>
    tpu.wait_indirect_dma semaphore(%arg7 : memref<!tpu.dma_semaphore, #tpu.memory_space<semaphore_mem>>) src(%dma_wait3A_46 : memref<8192x256xf32, #tpu.memory_space<hbm>>) dst(%arg6 : memref<128x256xf32, #tpu.memory_space<vmem>>)
    %add3A_47 = arith.constant 384 : i32
    %add3A_48 = arith.addi %mul3A_2, %add3A_47 : i32
    "tpu.region"() ({
      %run_scoped3A = tpu.sem_alloc : memref<!tpu.dma_semaphore, #tpu.memory_space<semaphore_mem>>
      %dma_start3A_49 = arith.constant 0 : i32
      %dma_start3A_50 = tpu.memref_slice %arg4[%add3A_48, %dma_start3A_49] : memref<16384x256xf32, #tpu.memory_space<hbm>> -> memref<128x256xf32, #tpu.memory_space<hbm>>
      %dma_start3A_51 = arith.constant 0 : i32
      %dma_start3A_52 = tpu.memref_slice %arg4[%add3A_48, %dma_start3A_51] : memref<16384x256xf32, #tpu.memory_space<hbm>> -> memref<128x256xf32, #tpu.memory_space<hbm>>
      tpu.enqueue_dma source(%arg6 : memref<128x256xf32, #tpu.memory_space<vmem>>) target(%dma_start3A_52 : memref<128x256xf32, #tpu.memory_space<hbm>>) target_semaphore(%run_scoped3A : memref<!tpu.dma_semaphore, #tpu.memory_space<semaphore_mem>>)
      %dma_wait3A_53 = arith.constant 0 : i32
      %dma_wait3A_54 = tpu.memref_slice %arg4[%add3A_48, %dma_wait3A_53] : memref<16384x256xf32, #tpu.memory_space<hbm>> -> memref<128x256xf32, #tpu.memory_space<hbm>>
      %dma_wait3A_55 = arith.constant 0 : i32
      %dma_wait3A_56 = tpu.memref_slice %arg4[%add3A_48, %dma_wait3A_55] : memref<16384x256xf32, #tpu.memory_space<hbm>> -> memref<128x256xf32, #tpu.memory_space<hbm>>
      tpu.wait_dma2 semaphore(%run_scoped3A : memref<!tpu.dma_semaphore, #tpu.memory_space<semaphore_mem>>) src(%arg6 : memref<128x256xf32, #tpu.memory_space<vmem>>) dst(%dma_wait3A_56 : memref<128x256xf32, #tpu.memory_space<hbm>>)
      tpu.yield
    }) : () -> ()
    return
  }
}

module attributes {stable_mosaic.version = 14 : i64} {
  func.func @_assign_body(%arg0: i32, %arg1: memref<16384x1xf32, #tpu.memory_space<vmem>>, %arg2: memref<16384x256xbf16, #tpu.memory_space<vmem>>, %arg3: memref<256x8192xbf16, #tpu.memory_space<vmem>>, %arg4: memref<1x8192xf32, #tpu.memory_space<vmem>>, %arg5: memref<512x1xi32, #tpu.memory_space<vmem>>) attributes {dimension_semantics = [#tpu.dimension_semantics<arbitrary>], iteration_bounds = array<i64: 32>, scalar_prefetch = 0 : i64, scratch_operands = 0 : i64, tpu.core_type = #tpu.core_type<tc>, window_params = [{pipeline_mode = #tpu.pipeline_mode<synchronous>, transform_indices = @transform_0, window_bounds = array<i64: 16384, 1>}, {pipeline_mode = #tpu.pipeline_mode<synchronous>, transform_indices = @transform_1, window_bounds = array<i64: 16384, 256>}, {pipeline_mode = #tpu.pipeline_mode<synchronous>, transform_indices = @transform_2, window_bounds = array<i64: 256, 8192>}, {pipeline_mode = #tpu.pipeline_mode<synchronous>, transform_indices = @transform_3, window_bounds = array<i64: 1, 8192>}, {transform_indices = @transform_4, window_bounds = array<i64: 512, 1>}]} {
    %mul3A = arith.constant 512 : i32
    %mul3A_0 = arith.muli %arg0, %mul3A : i32
    %get3A = arith.index_cast %mul3A_0 : i32 to index
    %get3A_1 = arith.constant 0 : index
    %get3A_2 = vector.load %arg2[%get3A, %get3A_1] : memref<16384x256xbf16, #tpu.memory_space<vmem>>, vector<512x256xbf16>
    %get3A_3 = arith.index_cast %mul3A_0 : i32 to index
    %get3A_4 = arith.constant 0 : index
    %get3A_5 = vector.load %arg1[%get3A_3, %get3A_4] : memref<16384x1xf32, #tpu.memory_space<vmem>>, vector<512x1xf32>
    %broadcast_in_dim3A = arith.constant 0x7F800000 : f32
    %broadcast_in_dim3A_6 = vector.broadcast %broadcast_in_dim3A : f32 to vector<512x1xf32>
    %broadcast_in_dim3A_7 = arith.constant 0x7F800000 : f32
    %broadcast_in_dim3A_8 = vector.broadcast %broadcast_in_dim3A_7 : f32 to vector<512x1xf32>
    %broadcast_in_dim3A_9 = arith.constant 0x7F800000 : f32
    %broadcast_in_dim3A_10 = vector.broadcast %broadcast_in_dim3A_9 : f32 to vector<512x1xf32>
    %broadcast_in_dim3A_11 = arith.constant 0 : i32
    %broadcast_in_dim3A_12 = vector.broadcast %broadcast_in_dim3A_11 : i32 to vector<512x1xi32>
    %broadcast_in_dim3A_13 = arith.constant 0 : i32
    %broadcast_in_dim3A_14 = vector.broadcast %broadcast_in_dim3A_13 : i32 to vector<512x1xi32>
    %broadcast_in_dim3A_15 = arith.constant 0 : i32
    %broadcast_in_dim3A_16 = vector.broadcast %broadcast_in_dim3A_15 : i32 to vector<512x1xi32>
    %get3A_17 = arith.constant 0 : index
    %get3A_18 = arith.constant 0 : index
    %get3A_19 = vector.load %arg3[%get3A_17, %get3A_18] : memref<256x8192xbf16, #tpu.memory_space<vmem>>, vector<256x2048xbf16>
    %dot_general3A = arith.constant dense<0.000000e+00> : vector<512x2048xf32>
    %dot_general3A_20 = tpu.matmul %get3A_2, %get3A_19, %dot_general3A {dimension_numbers = #tpu.dot_dimension_numbers<[1], [0], [0], [1], [0, 0, 1, 1], [], []>, transpose_lhs_hint = false} : vector<512x256xbf16>, vector<256x2048xbf16>, vector<512x2048xf32> -> vector<512x2048xf32>
    %mul3A_21 = arith.constant 2.000000e+00 : f32
    %mul3A_22 = vector.broadcast %mul3A_21 : f32 to vector<512x2048xf32>
    %mul3A_23 = arith.mulf %mul3A_22, %dot_general3A_20 : vector<512x2048xf32>
    %sub3A = vector.broadcast %get3A_5 : vector<512x1xf32> to vector<512x2048xf32>
    %sub3A_24 = arith.subf %sub3A, %mul3A_23 : vector<512x2048xf32>
    %get3A_25 = arith.constant 0 : index
    %get3A_26 = arith.constant 0 : index
    %get3A_27 = vector.load %arg4[%get3A_25, %get3A_26] : memref<1x8192xf32, #tpu.memory_space<vmem>>, vector<1x2048xf32>
    %add3A = vector.broadcast %get3A_27 : vector<1x2048xf32> to vector<512x2048xf32>
    %add3A_28 = arith.addf %sub3A_24, %add3A : vector<512x2048xf32>
    %iota3A = tpu.iota {dimensions = array<i32: 1>} : vector<512x2048xi32>
    %add3A_29 = arith.constant 0 : i32
    %add3A_30 = vector.broadcast %add3A_29 : i32 to vector<512x2048xi32>
    %add3A_31 = arith.addi %iota3A, %add3A_30 : vector<512x2048xi32>
    %reduce_min3A = arith.constant dense<0x7F800000> : vector<512xf32>
    %reduce_min3A_32 = vector.multi_reduction <minimumf>, %add3A_28, %reduce_min3A [1] : vector<512x2048xf32> to vector<512xf32>
    %broadcast_in_dim3A_33 = vector.shape_cast %reduce_min3A_32 : vector<512xf32> to vector<512x1xf32>
    %eq3A = vector.broadcast %broadcast_in_dim3A_33 : vector<512x1xf32> to vector<512x2048xf32>
    %eq3A_34 = arith.cmpf oeq, %add3A_28, %eq3A : vector<512x2048xf32>
    %jit3A = arith.constant 8192 : i32
    %broadcast_in_dim3A_35 = vector.broadcast %jit3A : i32 to vector<512x2048xi32>
    %select_n3A = arith.select %eq3A_34, %add3A_31, %broadcast_in_dim3A_35 : vector<512x2048xi1>, vector<512x2048xi32>
    %reduce_min3A_36 = arith.constant dense<2147483647> : vector<512xi32>
    %reduce_min3A_37 = vector.multi_reduction <minsi>, %select_n3A, %reduce_min3A_36 [1] : vector<512x2048xi32> to vector<512xi32>
    %broadcast_in_dim3A_38 = vector.shape_cast %reduce_min3A_37 : vector<512xi32> to vector<512x1xi32>
    %lt3A = arith.cmpf olt, %broadcast_in_dim3A_33, %broadcast_in_dim3A_6 : vector<512x1xf32>
    %select_n3A_39 = arith.select %lt3A, %broadcast_in_dim3A_38, %broadcast_in_dim3A_12 : vector<512x1xi1>, vector<512x1xi32>
    %select_n3A_40 = arith.select %lt3A, %broadcast_in_dim3A_33, %broadcast_in_dim3A_6 : vector<512x1xi1>, vector<512x1xf32>
    %get3A_41 = arith.constant 0 : index
    %get3A_42 = arith.constant 2048 : index
    %get3A_43 = vector.load %arg3[%get3A_41, %get3A_42] : memref<256x8192xbf16, #tpu.memory_space<vmem>>, vector<256x2048xbf16>
    %dot_general3A_44 = arith.constant dense<0.000000e+00> : vector<512x2048xf32>
    %dot_general3A_45 = tpu.matmul %get3A_2, %get3A_43, %dot_general3A_44 {dimension_numbers = #tpu.dot_dimension_numbers<[1], [0], [0], [1], [0, 0, 1, 1], [], []>, transpose_lhs_hint = false} : vector<512x256xbf16>, vector<256x2048xbf16>, vector<512x2048xf32> -> vector<512x2048xf32>
    %mul3A_46 = arith.constant 2.000000e+00 : f32
    %mul3A_47 = vector.broadcast %mul3A_46 : f32 to vector<512x2048xf32>
    %mul3A_48 = arith.mulf %mul3A_47, %dot_general3A_45 : vector<512x2048xf32>
    %sub3A_49 = vector.broadcast %get3A_5 : vector<512x1xf32> to vector<512x2048xf32>
    %sub3A_50 = arith.subf %sub3A_49, %mul3A_48 : vector<512x2048xf32>
    %get3A_51 = arith.constant 0 : index
    %get3A_52 = arith.constant 2048 : index
    %get3A_53 = vector.load %arg4[%get3A_51, %get3A_52] : memref<1x8192xf32, #tpu.memory_space<vmem>>, vector<1x2048xf32>
    %add3A_54 = vector.broadcast %get3A_53 : vector<1x2048xf32> to vector<512x2048xf32>
    %add3A_55 = arith.addf %sub3A_50, %add3A_54 : vector<512x2048xf32>
    %iota3A_56 = tpu.iota {dimensions = array<i32: 1>} : vector<512x2048xi32>
    %add3A_57 = arith.constant 2048 : i32
    %add3A_58 = vector.broadcast %add3A_57 : i32 to vector<512x2048xi32>
    %add3A_59 = arith.addi %iota3A_56, %add3A_58 : vector<512x2048xi32>
    %ge3A = arith.constant 0 : i32
    %ge3A_60 = vector.broadcast %ge3A : i32 to vector<512x2048xi32>
    %ge3A_61 = arith.cmpi sge, %add3A_59, %ge3A_60 : vector<512x2048xi32>
    %lt3A_62 = arith.constant 2736 : i32
    %lt3A_63 = vector.broadcast %lt3A_62 : i32 to vector<512x2048xi32>
    %lt3A_64 = arith.cmpi slt, %add3A_59, %lt3A_63 : vector<512x2048xi32>
    %and3A = arith.andi %ge3A_61, %lt3A_64 : vector<512x2048xi1>
    %jit3A_65 = arith.constant 0x7F800000 : f32
    %broadcast_in_dim3A_66 = vector.broadcast %jit3A_65 : f32 to vector<512x2048xf32>
    %select_n3A_67 = arith.select %and3A, %add3A_55, %broadcast_in_dim3A_66 : vector<512x2048xi1>, vector<512x2048xf32>
    %reduce_min3A_68 = arith.constant dense<0x7F800000> : vector<512xf32>
    %reduce_min3A_69 = vector.multi_reduction <minimumf>, %select_n3A_67, %reduce_min3A_68 [1] : vector<512x2048xf32> to vector<512xf32>
    %broadcast_in_dim3A_70 = vector.shape_cast %reduce_min3A_69 : vector<512xf32> to vector<512x1xf32>
    %eq3A_71 = vector.broadcast %broadcast_in_dim3A_70 : vector<512x1xf32> to vector<512x2048xf32>
    %eq3A_72 = arith.cmpf oeq, %select_n3A_67, %eq3A_71 : vector<512x2048xf32>
    %jit3A_73 = arith.constant 8192 : i32
    %broadcast_in_dim3A_74 = vector.broadcast %jit3A_73 : i32 to vector<512x2048xi32>
    %select_n3A_75 = arith.select %eq3A_72, %add3A_59, %broadcast_in_dim3A_74 : vector<512x2048xi1>, vector<512x2048xi32>
    %reduce_min3A_76 = arith.constant dense<2147483647> : vector<512xi32>
    %reduce_min3A_77 = vector.multi_reduction <minsi>, %select_n3A_75, %reduce_min3A_76 [1] : vector<512x2048xi32> to vector<512xi32>
    %broadcast_in_dim3A_78 = vector.shape_cast %reduce_min3A_77 : vector<512xi32> to vector<512x1xi32>
    %lt3A_79 = arith.cmpf olt, %broadcast_in_dim3A_70, %select_n3A_40 : vector<512x1xf32>
    %select_n3A_80 = arith.select %lt3A_79, %broadcast_in_dim3A_78, %select_n3A_39 : vector<512x1xi1>, vector<512x1xi32>
    %select_n3A_81 = arith.select %lt3A_79, %broadcast_in_dim3A_70, %select_n3A_40 : vector<512x1xi1>, vector<512x1xf32>
    %ge3A_82 = arith.constant 2736 : i32
    %ge3A_83 = vector.broadcast %ge3A_82 : i32 to vector<512x2048xi32>
    %ge3A_84 = arith.cmpi sge, %add3A_59, %ge3A_83 : vector<512x2048xi32>
    %lt3A_85 = arith.constant 5472 : i32
    %lt3A_86 = vector.broadcast %lt3A_85 : i32 to vector<512x2048xi32>
    %lt3A_87 = arith.cmpi slt, %add3A_59, %lt3A_86 : vector<512x2048xi32>
    %and3A_88 = arith.andi %ge3A_84, %lt3A_87 : vector<512x2048xi1>
    %jit3A_89 = arith.constant 0x7F800000 : f32
    %broadcast_in_dim3A_90 = vector.broadcast %jit3A_89 : f32 to vector<512x2048xf32>
    %select_n3A_91 = arith.select %and3A_88, %add3A_55, %broadcast_in_dim3A_90 : vector<512x2048xi1>, vector<512x2048xf32>
    %reduce_min3A_92 = arith.constant dense<0x7F800000> : vector<512xf32>
    %reduce_min3A_93 = vector.multi_reduction <minimumf>, %select_n3A_91, %reduce_min3A_92 [1] : vector<512x2048xf32> to vector<512xf32>
    %broadcast_in_dim3A_94 = vector.shape_cast %reduce_min3A_93 : vector<512xf32> to vector<512x1xf32>
    %eq3A_95 = vector.broadcast %broadcast_in_dim3A_94 : vector<512x1xf32> to vector<512x2048xf32>
    %eq3A_96 = arith.cmpf oeq, %select_n3A_91, %eq3A_95 : vector<512x2048xf32>
    %jit3A_97 = arith.constant 8192 : i32
    %broadcast_in_dim3A_98 = vector.broadcast %jit3A_97 : i32 to vector<512x2048xi32>
    %select_n3A_99 = arith.select %eq3A_96, %add3A_59, %broadcast_in_dim3A_98 : vector<512x2048xi1>, vector<512x2048xi32>
    %reduce_min3A_100 = arith.constant dense<2147483647> : vector<512xi32>
    %reduce_min3A_101 = vector.multi_reduction <minsi>, %select_n3A_99, %reduce_min3A_100 [1] : vector<512x2048xi32> to vector<512xi32>
    %broadcast_in_dim3A_102 = vector.shape_cast %reduce_min3A_101 : vector<512xi32> to vector<512x1xi32>
    %lt3A_103 = arith.cmpf olt, %broadcast_in_dim3A_94, %broadcast_in_dim3A_8 : vector<512x1xf32>
    %select_n3A_104 = arith.select %lt3A_103, %broadcast_in_dim3A_102, %broadcast_in_dim3A_14 : vector<512x1xi1>, vector<512x1xi32>
    %select_n3A_105 = arith.select %lt3A_103, %broadcast_in_dim3A_94, %broadcast_in_dim3A_8 : vector<512x1xi1>, vector<512x1xf32>
    %get3A_106 = arith.constant 0 : index
    %get3A_107 = arith.constant 4096 : index
    %get3A_108 = vector.load %arg3[%get3A_106, %get3A_107] : memref<256x8192xbf16, #tpu.memory_space<vmem>>, vector<256x2048xbf16>
    %dot_general3A_109 = arith.constant dense<0.000000e+00> : vector<512x2048xf32>
    %dot_general3A_110 = tpu.matmul %get3A_2, %get3A_108, %dot_general3A_109 {dimension_numbers = #tpu.dot_dimension_numbers<[1], [0], [0], [1], [0, 0, 1, 1], [], []>, transpose_lhs_hint = false} : vector<512x256xbf16>, vector<256x2048xbf16>, vector<512x2048xf32> -> vector<512x2048xf32>
    %mul3A_111 = arith.constant 2.000000e+00 : f32
    %mul3A_112 = vector.broadcast %mul3A_111 : f32 to vector<512x2048xf32>
    %mul3A_113 = arith.mulf %mul3A_112, %dot_general3A_110 : vector<512x2048xf32>
    %sub3A_114 = vector.broadcast %get3A_5 : vector<512x1xf32> to vector<512x2048xf32>
    %sub3A_115 = arith.subf %sub3A_114, %mul3A_113 : vector<512x2048xf32>
    %get3A_116 = arith.constant 0 : index
    %get3A_117 = arith.constant 4096 : index
    %get3A_118 = vector.load %arg4[%get3A_116, %get3A_117] : memref<1x8192xf32, #tpu.memory_space<vmem>>, vector<1x2048xf32>
    %add3A_119 = vector.broadcast %get3A_118 : vector<1x2048xf32> to vector<512x2048xf32>
    %add3A_120 = arith.addf %sub3A_115, %add3A_119 : vector<512x2048xf32>
    %iota3A_121 = tpu.iota {dimensions = array<i32: 1>} : vector<512x2048xi32>
    %add3A_122 = arith.constant 4096 : i32
    %add3A_123 = vector.broadcast %add3A_122 : i32 to vector<512x2048xi32>
    %add3A_124 = arith.addi %iota3A_121, %add3A_123 : vector<512x2048xi32>
    %ge3A_125 = arith.constant 2736 : i32
    %ge3A_126 = vector.broadcast %ge3A_125 : i32 to vector<512x2048xi32>
    %ge3A_127 = arith.cmpi sge, %add3A_124, %ge3A_126 : vector<512x2048xi32>
    %lt3A_128 = arith.constant 5472 : i32
    %lt3A_129 = vector.broadcast %lt3A_128 : i32 to vector<512x2048xi32>
    %lt3A_130 = arith.cmpi slt, %add3A_124, %lt3A_129 : vector<512x2048xi32>
    %and3A_131 = arith.andi %ge3A_127, %lt3A_130 : vector<512x2048xi1>
    %jit3A_132 = arith.constant 0x7F800000 : f32
    %broadcast_in_dim3A_133 = vector.broadcast %jit3A_132 : f32 to vector<512x2048xf32>
    %select_n3A_134 = arith.select %and3A_131, %add3A_120, %broadcast_in_dim3A_133 : vector<512x2048xi1>, vector<512x2048xf32>
    %reduce_min3A_135 = arith.constant dense<0x7F800000> : vector<512xf32>
    %reduce_min3A_136 = vector.multi_reduction <minimumf>, %select_n3A_134, %reduce_min3A_135 [1] : vector<512x2048xf32> to vector<512xf32>
    %broadcast_in_dim3A_137 = vector.shape_cast %reduce_min3A_136 : vector<512xf32> to vector<512x1xf32>
    %eq3A_138 = vector.broadcast %broadcast_in_dim3A_137 : vector<512x1xf32> to vector<512x2048xf32>
    %eq3A_139 = arith.cmpf oeq, %select_n3A_134, %eq3A_138 : vector<512x2048xf32>
    %jit3A_140 = arith.constant 8192 : i32
    %broadcast_in_dim3A_141 = vector.broadcast %jit3A_140 : i32 to vector<512x2048xi32>
    %select_n3A_142 = arith.select %eq3A_139, %add3A_124, %broadcast_in_dim3A_141 : vector<512x2048xi1>, vector<512x2048xi32>
    %reduce_min3A_143 = arith.constant dense<2147483647> : vector<512xi32>
    %reduce_min3A_144 = vector.multi_reduction <minsi>, %select_n3A_142, %reduce_min3A_143 [1] : vector<512x2048xi32> to vector<512xi32>
    %broadcast_in_dim3A_145 = vector.shape_cast %reduce_min3A_144 : vector<512xi32> to vector<512x1xi32>
    %lt3A_146 = arith.cmpf olt, %broadcast_in_dim3A_137, %select_n3A_105 : vector<512x1xf32>
    %select_n3A_147 = arith.select %lt3A_146, %broadcast_in_dim3A_145, %select_n3A_104 : vector<512x1xi1>, vector<512x1xi32>
    %select_n3A_148 = arith.select %lt3A_146, %broadcast_in_dim3A_137, %select_n3A_105 : vector<512x1xi1>, vector<512x1xf32>
    %ge3A_149 = arith.constant 5472 : i32
    %ge3A_150 = vector.broadcast %ge3A_149 : i32 to vector<512x2048xi32>
    %ge3A_151 = arith.cmpi sge, %add3A_124, %ge3A_150 : vector<512x2048xi32>
    %lt3A_152 = arith.constant 8192 : i32
    %lt3A_153 = vector.broadcast %lt3A_152 : i32 to vector<512x2048xi32>
    %lt3A_154 = arith.cmpi slt, %add3A_124, %lt3A_153 : vector<512x2048xi32>
    %and3A_155 = arith.andi %ge3A_151, %lt3A_154 : vector<512x2048xi1>
    %jit3A_156 = arith.constant 0x7F800000 : f32
    %broadcast_in_dim3A_157 = vector.broadcast %jit3A_156 : f32 to vector<512x2048xf32>
    %select_n3A_158 = arith.select %and3A_155, %add3A_120, %broadcast_in_dim3A_157 : vector<512x2048xi1>, vector<512x2048xf32>
    %reduce_min3A_159 = arith.constant dense<0x7F800000> : vector<512xf32>
    %reduce_min3A_160 = vector.multi_reduction <minimumf>, %select_n3A_158, %reduce_min3A_159 [1] : vector<512x2048xf32> to vector<512xf32>
    %broadcast_in_dim3A_161 = vector.shape_cast %reduce_min3A_160 : vector<512xf32> to vector<512x1xf32>
    %eq3A_162 = vector.broadcast %broadcast_in_dim3A_161 : vector<512x1xf32> to vector<512x2048xf32>
    %eq3A_163 = arith.cmpf oeq, %select_n3A_158, %eq3A_162 : vector<512x2048xf32>
    %jit3A_164 = arith.constant 8192 : i32
    %broadcast_in_dim3A_165 = vector.broadcast %jit3A_164 : i32 to vector<512x2048xi32>
    %select_n3A_166 = arith.select %eq3A_163, %add3A_124, %broadcast_in_dim3A_165 : vector<512x2048xi1>, vector<512x2048xi32>
    %reduce_min3A_167 = arith.constant dense<2147483647> : vector<512xi32>
    %reduce_min3A_168 = vector.multi_reduction <minsi>, %select_n3A_166, %reduce_min3A_167 [1] : vector<512x2048xi32> to vector<512xi32>
    %broadcast_in_dim3A_169 = vector.shape_cast %reduce_min3A_168 : vector<512xi32> to vector<512x1xi32>
    %lt3A_170 = arith.cmpf olt, %broadcast_in_dim3A_161, %broadcast_in_dim3A_10 : vector<512x1xf32>
    %select_n3A_171 = arith.select %lt3A_170, %broadcast_in_dim3A_169, %broadcast_in_dim3A_16 : vector<512x1xi1>, vector<512x1xi32>
    %select_n3A_172 = arith.select %lt3A_170, %broadcast_in_dim3A_161, %broadcast_in_dim3A_10 : vector<512x1xi1>, vector<512x1xf32>
    %get3A_173 = arith.constant 0 : index
    %get3A_174 = arith.constant 6144 : index
    %get3A_175 = vector.load %arg3[%get3A_173, %get3A_174] : memref<256x8192xbf16, #tpu.memory_space<vmem>>, vector<256x2048xbf16>
    %dot_general3A_176 = arith.constant dense<0.000000e+00> : vector<512x2048xf32>
    %dot_general3A_177 = tpu.matmul %get3A_2, %get3A_175, %dot_general3A_176 {dimension_numbers = #tpu.dot_dimension_numbers<[1], [0], [0], [1], [0, 0, 1, 1], [], []>, transpose_lhs_hint = false} : vector<512x256xbf16>, vector<256x2048xbf16>, vector<512x2048xf32> -> vector<512x2048xf32>
    %mul3A_178 = arith.constant 2.000000e+00 : f32
    %mul3A_179 = vector.broadcast %mul3A_178 : f32 to vector<512x2048xf32>
    %mul3A_180 = arith.mulf %mul3A_179, %dot_general3A_177 : vector<512x2048xf32>
    %sub3A_181 = vector.broadcast %get3A_5 : vector<512x1xf32> to vector<512x2048xf32>
    %sub3A_182 = arith.subf %sub3A_181, %mul3A_180 : vector<512x2048xf32>
    %get3A_183 = arith.constant 0 : index
    %get3A_184 = arith.constant 6144 : index
    %get3A_185 = vector.load %arg4[%get3A_183, %get3A_184] : memref<1x8192xf32, #tpu.memory_space<vmem>>, vector<1x2048xf32>
    %add3A_186 = vector.broadcast %get3A_185 : vector<1x2048xf32> to vector<512x2048xf32>
    %add3A_187 = arith.addf %sub3A_182, %add3A_186 : vector<512x2048xf32>
    %iota3A_188 = tpu.iota {dimensions = array<i32: 1>} : vector<512x2048xi32>
    %add3A_189 = arith.constant 6144 : i32
    %add3A_190 = vector.broadcast %add3A_189 : i32 to vector<512x2048xi32>
    %add3A_191 = arith.addi %iota3A_188, %add3A_190 : vector<512x2048xi32>
    %reduce_min3A_192 = arith.constant dense<0x7F800000> : vector<512xf32>
    %reduce_min3A_193 = vector.multi_reduction <minimumf>, %add3A_187, %reduce_min3A_192 [1] : vector<512x2048xf32> to vector<512xf32>
    %broadcast_in_dim3A_194 = vector.shape_cast %reduce_min3A_193 : vector<512xf32> to vector<512x1xf32>
    %eq3A_195 = vector.broadcast %broadcast_in_dim3A_194 : vector<512x1xf32> to vector<512x2048xf32>
    %eq3A_196 = arith.cmpf oeq, %add3A_187, %eq3A_195 : vector<512x2048xf32>
    %jit3A_197 = arith.constant 8192 : i32
    %broadcast_in_dim3A_198 = vector.broadcast %jit3A_197 : i32 to vector<512x2048xi32>
    %select_n3A_199 = arith.select %eq3A_196, %add3A_191, %broadcast_in_dim3A_198 : vector<512x2048xi1>, vector<512x2048xi32>
    %reduce_min3A_200 = arith.constant dense<2147483647> : vector<512xi32>
    %reduce_min3A_201 = vector.multi_reduction <minsi>, %select_n3A_199, %reduce_min3A_200 [1] : vector<512x2048xi32> to vector<512xi32>
    %broadcast_in_dim3A_202 = vector.shape_cast %reduce_min3A_201 : vector<512xi32> to vector<512x1xi32>
    %lt3A_203 = arith.cmpf olt, %broadcast_in_dim3A_194, %select_n3A_172 : vector<512x1xf32>
    %select_n3A_204 = arith.select %lt3A_203, %broadcast_in_dim3A_202, %select_n3A_171 : vector<512x1xi1>, vector<512x1xi32>
    %select_n3A_205 = arith.select %lt3A_203, %broadcast_in_dim3A_194, %select_n3A_172 : vector<512x1xi1>, vector<512x1xf32>
    %convert_element_type3A = arith.truncf %select_n3A_81 : vector<512x1xf32> to vector<512x1xbf16>
    %convert_element_type3A_206 = arith.extf %convert_element_type3A : vector<512x1xbf16> to vector<512x1xf32>
    %le3A = arith.cmpf ole, %convert_element_type3A_206, %select_n3A_148 : vector<512x1xf32>
    %select_n3A_207 = arith.select %le3A, %convert_element_type3A_206, %select_n3A_148 : vector<512x1xi1>, vector<512x1xf32>
    %select_n3A_208 = arith.select %le3A, %select_n3A_80, %select_n3A_147 : vector<512x1xi1>, vector<512x1xi32>
    %convert_element_type3A_209 = arith.truncf %select_n3A_207 : vector<512x1xf32> to vector<512x1xbf16>
    %convert_element_type3A_210 = arith.extf %convert_element_type3A_209 : vector<512x1xbf16> to vector<512x1xf32>
    %le3A_211 = arith.cmpf ole, %convert_element_type3A_210, %select_n3A_205 : vector<512x1xf32>
    %select_n3A_212 = arith.select %le3A_211, %select_n3A_208, %select_n3A_204 : vector<512x1xi1>, vector<512x1xi32>
    %swap3A = arith.constant 0 : index
    %swap3A_213 = arith.constant 0 : index
    %swap3A_214 = vector.load %arg5[%swap3A, %swap3A_213] : memref<512x1xi32, #tpu.memory_space<vmem>>, vector<512x1xi32>
    tpu.vector_store %arg5[%swap3A, %swap3A_213], %select_n3A_212 {strides = array<i32>} : memref<512x1xi32, #tpu.memory_space<vmem>>, vector<512x1xi32>,
    return
  }
  func.func @transform_0(%arg0: i32) -> (i32, i32) {
    %c0_i32 = arith.constant 0 : i32
    %c0_i32_0 = arith.constant 0 : i32
    %c0_i32_1 = arith.constant 0 : i32
    return %c0_i32, %c0_i32_0 : i32, i32
  }
  func.func @transform_1(%arg0: i32) -> (i32, i32) {
    %c0_i32 = arith.constant 0 : i32
    %c0_i32_0 = arith.constant 0 : i32
    %c0_i32_1 = arith.constant 0 : i32
    return %c0_i32, %c0_i32_0 : i32, i32
  }
  func.func @transform_2(%arg0: i32) -> (i32, i32) {
    %c0_i32 = arith.constant 0 : i32
    %c0_i32_0 = arith.constant 0 : i32
    %c0_i32_1 = arith.constant 0 : i32
    return %c0_i32, %c0_i32_0 : i32, i32
  }
  func.func @transform_3(%arg0: i32) -> (i32, i32) {
    %c0_i32 = arith.constant 0 : i32
    %c0_i32_0 = arith.constant 0 : i32
    %c0_i32_1 = arith.constant 0 : i32
    return %c0_i32, %c0_i32_0 : i32, i32
  }
  func.func @transform_4(%arg0: i32) -> (i32, i32) {
    %c0_i32 = arith.constant 0 : i32
    %c0_i32_0 = arith.constant 0 : i32
    return %arg0, %c0_i32 : i32, i32
  }
}

</mosaic_0001>

<sc_bundles>
// kernel: kernel.4.cloned.1.call-start
scs
__scs_entry_jumppad:
0x0: {  	(pc) =	sbr.rel $0x88, $3  }
0x1: {  	(tag) =	ssettag $0x0;
	lr =	simm.s32 $0x1  }
0x2: {  	[smem:$0x3F9F] =	sst lr;
	_ =	strace $0xD0000000  }
0x3: {  	_ = 	snop  }
0x4: {  	_ = 	snop  }
0x5: {  	_ = 	snop  }
0x6: {  	_ = 	snop  }
0x7: {  	_ = 	snop  }
__scs_overlays_trampoline_lowered:
0x8: {  	[smem:$0x3FAE] =	sst s0  }
0x9: {  	[smem:$0x3FAF] =	sst s1  }
0xa: {  	[smem:$0x3FB0] =	sst s2  }
0xb: {  	[smem:$0x3FB1] =	sst s3  }
0xc: {  	[smem:$0x3FB2] =	sst s4  }
0xd: {  	[smem:$0x3FB3] =	sst s5  }
0xe: {  	[smem:$0x3FB4] =	sst s6  }
0xf: {  	[smem:$0x3FB5] =	sst s7  }
0x10: {  	[smem:$0x3FB6] =	sst s8  }
0x11: {  	[smem:$0x3FB7] =	sst s9;
	s0 =	simm.s32 @!p0 $0x0  }
0x12: {  	s1 =	sld [smem:$0x3F9D];
	s0 =	simm.s32 @p0 $0x1  }
0x13: {  	[smem:$0x3FB8] =	sst s0;
	s0 =	simm.s32 @!p1 $0x0  }
0x14: {  	s2 =	sld [smem:$0x3F9C];
	s0 =	simm.s32 @p1 $0x1  }
0x15: {  	[smem:$0x3FB9] =	sst s0;
	s0 =	simm.s32 @!p2 $0x0  }
0x16: {  	s3 =	sld [smem:$0x3FDB];
	s0 =	simm.s32 @p2 $0x1  }
0x17: {  	s4 =	simm.s32 $0x1BF5;
	[smem:$0x3FBB] =	sst s0  }
0x18: {  	s0 =	sld [smem:$0x3F9E];
	_ =	swait.ge [sflag:s4], $0x0  }
0x19: {  	s7 =	sld [smem:$0x3F9F]  }
0x1a: {  	s8 =	sadd.s32 $0xFFFFE003, lr  }
0x1b: {  	s9 =	sadd.s32 $0xFFFFFEF7, lr;
	s5 =	simm.s32 $0xFFFFFFFF;
	p2 =	slt.u32 s8, $0xFFFFF086  }
0x1c: {  	p1 =	slt.u32 s9, $0xF7A;
	s5 =	simm.s32 @!p2 $0x0  }
0x1d: {  	s5 =	simm.s32 @p1 $0x1;
	p0 =	seq.s32 s7, s2  }
0x1e: {  	s7 =	smul.u32 @!p0 $0xF7A, s2;
	p2 =	seq.s32 @!p0 s5, $0x0  }
0x1f: {  	s9 =	smul.u32 $0xF7A, s1;
	s8 =	simm.s32 @!p0 $0x1BF5;
	p2 =	por !p2, p0  }
0x20: {  	[sflag:s8] =	ssyncset.s32 @!p0 $0xFFFFF086;
	s6 =	sadd.s32 @!p0 s3, s7;
	s7 =	simm.s32 @!p0 $0x108  }
0x21: {  	s3 =	sadd.s32 s3, s9;
	s6 =	sadd.s32 @!p0 $0x88, s6;
	s7 =	simm.s32 @p2 $0x1082  }
0x22: {  	[simem:s7], [sflag:s8] =	dma.local @!p0 [hbm:s6], $0xF7A  }
0x23: {  	s9 =	sor.u32 $0xD0000000, s2;
	s6 =	simm.s32 $0x108;
	_ =	swait.ge @!p0 [sflag:s8], $0x0  }
0x24: {  	s3 =	sadd.s32 $0x88, s3;
	s6 =	simm.s32 @!p1 $0x1082;
	[sflag:s4] =	ssyncset.s32 $0xFFFFF086  }
0x25: {  	[simem:s6], [sflag:s4] =	dma.local [hbm:s3], $0xF7A  }
0x26: {  	[smem:$0x3F9F] =	sst s1;
	(tag) =	ssettag s2;
	_ =	strace s9  }
0x27: {  	s1 =	sld [smem:$0x3FAF]  }
0x28: {  	s2 =	sld [smem:$0x3FB0]  }
0x29: {  	s4 =	sld [smem:$0x3FB2]  }
0x2a: {  	p0 =	seq.s32 s5, $0x0;
	s5 =	sld [smem:$0x3FB3]  }
0x2b: {  	s6 =	sld [smem:$0x3FB4]  }
0x2c: {  	s7 =	sld [smem:$0x3FB5]  }
0x2d: {  	s3 =	simm.s32 $0x108;
	s8 =	sld [smem:$0x3FB6]  }
0x2e: {  	s3 =	simm.s32 @!p0 $0x1082;
	s9 =	sld [smem:$0x3FB7]  }
0x2f: {  	lr =	sadd.s32 s0, s3;
	s0 =	sld [smem:$0x3FAE]  }
0x30: {  	s3 =	sld [smem:$0x3FB1]  }
0x31: {  	[smem:$0x3FBA] =	sst s10  }
0x32: {  	s10 =	sld [smem:$0x3FB8];
	_ =	sdelay $0x3  }
0x33: {  	p0 =	seq.s32 s10, $0x1;
	s10 =	sld [smem:$0x3FBA];
	_ =	sdelay $0x3  }
0x34: {  	[smem:$0x3FBA] =	sst s10  }
0x35: {  	s10 =	sld [smem:$0x3FB9];
	_ =	sdelay $0x3  }
0x36: {  	p1 =	seq.s32 s10, $0x1;
	s10 =	sld [smem:$0x3FBA];
	_ =	sdelay $0x3  }
0x37: {  	[smem:$0x3FBA] =	sst s10  }
0x38: {  	s10 =	sld [smem:$0x3FBB]  }
0x39: {  	_ = 	snop;
	(pc) =	sbr.ind lr, $3  }
0x3a: {  	_ = 	snop  }
0x3b: {  	_ = 	snop  }
0x3c: {  	p2 =	seq.s32 s10, $0x1;
	s10 =	sld [smem:$0x3FBA]  }
0x3d: {  	_ =	shalt  }
0x3e: {  	_ =	shalt  }
0x3f: {  	_ =	shalt  }
0x40: {  	_ =	shalt  }
0x41: {  	_ =	shalt  }
0x42: {  	_ =	shalt  }
0x43: {  	_ =	shalt  }
0x44: {  	_ =	shalt  }
0x45: {  	_ =	shalt  }
0x46: {  	_ =	shalt  }
0x47: {  	_ =	shalt  }
0x48: {  	_ =	shalt  }
0x49: {  	_ =	shalt  }
0x4a: {  	_ =	shalt  }
0x4b: {  	_ =	shalt  }
0x4c: {  	_ =	shalt  }
0x4d: {  	_ =	shalt  }
0x4e: {  	_ =	shalt  }
0x4f: {  	_ =	shalt  }
0x50: {  	_ =	shalt  }
0x51: {  	_ =	shalt  }
0x52: {  	_ =	shalt  }
0x53: {  	_ =	shalt  }
0x54: {  	_ =	shalt  }
0x55: {  	_ =	shalt  }
0x56: {  	_ =	shalt  }
0x57: {  	_ =	shalt  }
0x58: {  	_ =	shalt  }
0x59: {  	_ =	shalt  }
0x5a: {  	_ =	shalt  }
0x5b: {  	_ =	shalt  }
0x5c: {  	_ =	shalt  }
0x5d: {  	_ =	shalt  }
0x5e: {  	_ =	shalt  }
0x5f: {  	_ =	shalt  }
0x60: {  	_ =	shalt  }
0x61: {  	_ =	shalt  }
0x62: {  	_ =	shalt  }
0x63: {  	_ =	shalt  }
0x64: {  	_ =	shalt  }
0x65: {  	_ =	shalt  }
0x66: {  	_ =	shalt  }
0x67: {  	_ =	shalt  }
0x68: {  	_ =	shalt  }
0x69: {  	_ =	shalt  }
0x6a: {  	_ =	shalt  }
0x6b: {  	_ =	shalt  }
0x6c: {  	_ =	shalt  }
0x6d: {  	_ =	shalt  }
0x6e: {  	_ =	shalt  }
0x6f: {  	_ =	shalt  }
0x70: {  	_ =	shalt  }
0x71: {  	_ =	shalt  }
0x72: {  	_ =	shalt  }
0x73: {  	_ =	shalt  }
0x74: {  	_ =	shalt  }
0x75: {  	_ =	shalt  }
0x76: {  	_ =	shalt  }
0x77: {  	_ =	shalt  }
0x78: {  	_ =	shalt  }
0x79: {  	_ =	shalt  }
0x7a: {  	_ =	shalt  }
0x7b: {  	_ =	shalt  }
0x7c: {  	_ =	shalt  }
0x7d: {  	_ =	shalt  }
0x7e: {  	_ =	shalt  }
0x7f: {  	_ =	shalt  }
0x80: {  	_ =	shalt  }
0x81: {  	_ =	shalt  }
0x82: {  	_ =	shalt  }
0x83: {  	_ =	shalt  }
0x84: {  	_ =	shalt  }
0x85: {  	_ =	shalt  }
0x86: {  	_ =	shalt  }
0x87: {  	_ =	shalt  }
.Lfunc_end0:
.L_simem_size_0:
called_computation_lowered:
.L_overlay_start_0:
0x88: {  	s2 =	sld [smem:$0x3FD9]  }
0x89: {  	s3 =	sld [smem:$0x3FFE];
	_ =	sdelay $0x1  }
0x8a: {  	s1 =	srdreg.scid  }
0x8b: {  	s0 =	sand.u32 $0x1, s1  }
0x8c: {  	s17 =	sshll.u32 s0, $0xA;
	s2 =	sadd.s32 s3, s2  }
0x8d: {  	s2 =	sadd.s32 s2, s17  }
0x8e: {  	[smem:$0x3FC6] =	sst s2  }
0x8f: {  	_ = 	snop  }
0x90: {  	s2 =	sld [smem:$0x3FC8]  }
0x91: {  	s18 =	sld [smem:$0x3FD0];
	(tm) =	ssettm $0x1  }
0x92: {  	s4 =	sld [smem:$0x3FFB];
	_ =	sdelay $0x3  }
0x93: {  	_ =	strace s4  }
0x94: {  	s4 =	sld [smem:$0x3FFC];
	_ =	sdelay $0x3  }
0x95: {  	_ =	strace s4  }
0x96: {  	s4 =	sld [smem:$0x3FFD];
	_ =	sdelay $0x3  }
0x97: {  	_ =	strace s4  }
0x98: {  	_ =	strace $0x8FFFFFFF  }
0x99: {  	s19 =	sld [smem:$0x3FDB];
	_ =	sdelay $0x1  }
0x9a: {  	s5 =	simm.s32 $_scs_section_size  }
0x9b: {  	s6 =	simm.s32 $_size__tile_overlayer_lowered;
	s7 =	simm.s32 $_tile_overlayer_lowered  }
0x9c: {  	s22 =	simm.s32 $0x1BFF;
	s21 =	sshll.u32 s7, $0x1;
	s4 =	sadd.s32 s5, s19  }
0x9d: {  	s8 =	simm.s32 $0x0;
	s20 =	sshll.u32 s6, $0x1;
	s6 =	sadd.s32 s21, s4  }
0x9e: {  	[timem:s8], [sflag:s22] =	dma.local [hbm:s6], s20  }
0x9f: {  	_ =	swait.ge [sflag:s22], s20  }
0xa0: {  	s5 =	ssub.s32 $0x0, s20;
	[sflag:s22] =	ssyncset.done $0x0  }
0xa1: {  	[sflag:s22] =	ssyncadd.s32 s5;
	_ =	sdelay $0x1  }
0xa2: {  	s23 =	simm.s32 $0x1B8B  }
0xa3: {  	_ =	swait.ge [sflag:s23], $0x1  }
0xa4: {  	[sflag:s23] =	ssyncset.done $0x0  }
0xa5: {  	s25 =	simm.s32 $0x1B8E;
	s24 =	sld [smem:$0x3FFE];
	[sflag:s23] =	ssyncadd.s32 $0xFFFFFFFF  }
0xa6: {  	s26 =	simm.s32 $execute0_lowered;
	[smem:$0x3FD2] =	sst s25  }
0xa7: {  	s6 =	sshll.u32 s26, $0x1;
	_ =	strace $0x80000046;
	[dreg:$0x1] =	wrdreg $0xFFFFFFFF  }
0xa8: {  	s28 =	simm.s32 $_size_execute0_lowered;
	s4 =	sadd.s32 s4, s6;
	[dreg:$0x0] =	wrdreg $0x0  }
0xa9: {  	s6 =	sshll.u32 s28, $0x1;
	[dreg:$0x2] =	wrdreg s4  }
0xaa: {  	[dreg:$0x3] =	wrdreg s6  }
0xab: {  	[dreg:$0x4] =	wrdreg $0xC0  }
0xac: {  	_ =	task [dreg:s8], $0x5FFFF  }
0xad: {  	[dreg:$0x1] =	wrdreg $0xFFFFFFFF  }
0xae: {  	[dreg:$0x0] =	wrdreg $0x60  }
0xaf: {  	[dreg:$0x2] =	wrdreg s2  }
0xb0: {  	[dreg:$0x3] =	wrdreg s24  }
0xb1: {  	[dreg:$0x4] =	wrdreg s18  }
0xb2: {  	[dreg:$0x5] =	wrdreg $0x9  }
0xb3: {  	_ =	task.clear_ibuf [dreg:s8], $0x6FFFF;
	_ =	strace $0x90000046  }
0xb4: {  	s29 =	simm.s32 $0x9;
	_ =	strace $0x80000048  }
0xb5: {  	_ =	swait.ge [sflag:s29], $0x1  }
0xb6: {  	[sflag:s29] =	ssyncadd.s32 $0xFFFFFFFF  }
0xb7: {  	_ =	strace $0x90000048  }
0xb8: {  	_ =	sfence  }
0xb9: {  	s30 =	sld [smem:$0x0];
	_ =	sdelay $0x2  }
0xba: {  	s31 =	sshll.u32 s1, $0xD;
	s1 =	sshrl.u32 s1, $0x2  }
0xbb: {  	s3 =	sand.u32 $0x4000, s31;
	s1 =	sadd.s32 s1, s30  }
0xbc: {  	s0 =	sor.u32 s3, s0;
	s1 =	sshll.u32 s1, $0x11  }
0xbd: {  	s0 =	sor.u32 s1, s0  }
0xbe: {  	s0 =	sadd.s32 $0x8F2B, s0  }
0xbf: {  	[sflag:s0] =	ssyncadd.remote.s32 $0x1  }
0xc0: {  	_ =	sfence.sel $0xFFFF  }
0xc1: {  	[dreg:$0x0] =	wrdreg $0xFFFFFFFF;
	(pc) =	sbr.abs _section_cstart, $3  }
0xc2: {  	[dreg:$0x1] =	wrdreg $0xFFFFFFFF  }
0xc3: {  	_ =	task.clear_ibuf [dreg:s8], $0x2FFFF;
	_ =	strace $0x9FFFFFFF  }
0xc4: {  	(tm) =	ssettm $0x7FFFFFFF  }
0xc5: {  	_ =	shalt  }
tec
execute0_lowered:
.L_overlay_start_1:
0x0: {  	(tag) =	ssettag $0x1  }
0x1: {  	s1 =	rddreg [dreg:$0x0]  }
0x2: {  	s4 =	rddreg [dreg:$0x1]  }
0x3: {  	s5 =	rddreg [dreg:$0x2]  }
0x4: {  	s0 =	rddreg [dreg:$0x3]  }
0x5: {  	s6 =	srdreg.scid;
	s3 =	simm.s32 $0x0;
	s2 =	stileid.u32  }
0x6: {  	s10 =	simm.s32 $0x2;
	s11 =	simm.s32 $0x200;
	s12 =	simm.s32 $0xA00  }
0x7: {  	s13 =	simm.s32 $0x1200;
	s14 =	simm.s32 $0x1A00;
	s15 =	simm.s32 $0x2200  }
0x8: {  	s16 =	simm.s32 $0x2A00;
	s17 =	simm.s32 $0x3200;
	s18 =	simm.s32 $0x3A00  }
0x9: {  	s19 =	simm.s32 $0x4200;
	s20 =	simm.s32 $0x4A00;
	s21 =	simm.s32 $0x5200  }
0xa: {  	s22 =	simm.s32 $0x5A00;
	s23 =	simm.s32 $0x6200;
	s24 =	simm.s32 $0x6A00  }
0xb: {  	s25 =	simm.s32 $0x7200;
	s26 =	simm.s32 $0x7A00;
	s6 =	sand.u32 $0x1, s6  }
0xc: {  	s28 =	simm.s32 $0x1;
	s7 =	sshll.u32 s2, $0xA;
	s8 =	sshll.u32 s6, $0x9  }
0xd: {  	[smem:$0x7FF] =	sst s3;
	s6 =	ssub.s32 $0x2, s6;
	s7 =	sor.u32 s8, s7  }
0xe: {  	_ =	strace $0x80000047;
	s9 =	sshrl.u32 s6, $0x1;
	s8 =	sshrl.u32 s7, $0x3  }
0xf: {  	v2 =	vlaneseq.u32;
	s7 =	sshll.u32 s7, $0x5;
	s9 =	ssub.s32 s6, s9;
	s8 =	sadd.s32 s8, s4  }
0x10: {  	vm0 =	vmmov $0xffff;
	v1 =	vshrl.u32 v2, $0x3;
	s4 =	sadd.s32 s5, s7;
	s9 =	smax.u32 s9, $0x1;
	s5 =	sadd.s32 $0x800, s8  }
0x11: {  	v0 =	vand.u32 $0x7, v2;
	v2 =	vor.u32 $0x8, v2;
	v1 =	vmul.u32 $0x8, v1;
	s6 =	sadd.s32 $0x1000, s4;
	s7 =	sadd.s32 $0x2000, s4;
	s8 =	sadd.s32 $0x3000, s4  }
.LBB2_1:
0x12: {  	[tilespmem:s3], [sflag:$0x2] =	stream.linear.gather [hbm4b:s5+s3], $0x200, $0x38;
	[tilespmem:$0x8200] =	vst v63  }
0x13: {  	_ =	swait.ge [sflag:s10], $0x200  }
0x14: {  	[sflag:s10] =	ssyncset.done $0x0  }
0x15: {  	[sflag:s10] =	ssyncadd.s32 $0xFFFFFE00  }
0x16: {  	v3 =	vld [tilespmem:$0x0];
	_ =	sdelay $0x4  }
0x17: {  	v4 =	vshll.u32 v3, $0x1  }
0x18: {  	v3 =	vand.u32 $0x7, v3;
	v4 =	vand.u32 $0xFFFFFFF0, v4  }
0x19: {  	v3 =	vor.u32 v3, v4  }
0x1a: {  	v4 =	vperm.xlane v3, v0;
	_ =	sdelay $0x1  }
0x1b: {  	v3 =	vperm.xlane v3, v2;
	v4 =	vadd.s32 v1, v4;
	_ =	sdelay $0x1  }
0x1c: {  	v3 =	vadd.s32 v1, v3;
	_ =	sdelay $0x2  }
0x1d: {  	[tilespmem:s11], [sflag:$0x1] =	stream.indirect_vreg.gather [hbm4b:s1+s3], $0x80, v4, vm0, $0xb8;
	[tilespmem:$0x8200] =	vst v63  }
0x1e: {  	_ = 	snop  }
0x1f: {  	[tilespmem:s12], [sflag:$0x1] =	stream.indirect_vreg.gather [hbm4b:s1+s3], $0x80, v3, vm0, $0xb8;
	[tilespmem:$0x8200] =	vst v63  }
0x20: {  	v3 =	vld [tilespmem:$0x10];
	_ =	sdelay $0x4  }
0x21: {  	v33 =	vshll.u32 v3, $0x1  }
0x22: {  	v3 =	vand.u32 $0x7, v3;
	v4 =	vand.u32 $0xFFFFFFF0, v33  }
0x23: {  	v3 =	vor.u32 v3, v4  }
0x24: {  	v4 =	vperm.xlane v3, v0;
	_ =	sdelay $0x1  }
0x25: {  	v3 =	vperm.xlane v3, v2;
	v4 =	vadd.s32 v1, v4;
	_ =	sdelay $0x1  }
0x26: {  	v3 =	vadd.s32 v1, v3;
	_ =	sdelay $0x2  }
0x27: {  	[tilespmem:s13], [sflag:$0x1] =	stream.indirect_vreg.gather [hbm4b:s1+s3], $0x80, v4, vm0, $0xb8;
	[tilespmem:$0x8200] =	vst v63  }
0x28: {  	_ = 	snop  }
0x29: {  	[tilespmem:s14], [sflag:$0x1] =	stream.indirect_vreg.gather [hbm4b:s1+s3], $0x80, v3, vm0, $0xb8;
	[tilespmem:$0x8200] =	vst v63  }
0x2a: {  	v3 =	vld [tilespmem:$0x20];
	_ =	sdelay $0x4  }
0x2b: {  	v34 =	vshll.u32 v3, $0x1  }
0x2c: {  	v3 =	vand.u32 $0x7, v3;
	v4 =	vand.u32 $0xFFFFFFF0, v34  }
0x2d: {  	v3 =	vor.u32 v3, v4  }
0x2e: {  	v4 =	vperm.xlane v3, v0;
	_ =	sdelay $0x1  }
0x2f: {  	v3 =	vperm.xlane v3, v2;
	v4 =	vadd.s32 v1, v4;
	_ =	sdelay $0x1  }
0x30: {  	v3 =	vadd.s32 v1, v3;
	_ =	sdelay $0x2  }
0x31: {  	[tilespmem:s15], [sflag:$0x1] =	stream.indirect_vreg.gather [hbm4b:s1+s3], $0x80, v4, vm0, $0xb8;
	[tilespmem:$0x8200] =	vst v63  }
0x32: {  	_ = 	snop  }
0x33: {  	[tilespmem:s16], [sflag:$0x1] =	stream.indirect_vreg.gather [hbm4b:s1+s3], $0x80, v3, vm0, $0xb8;
	[tilespmem:$0x8200] =	vst v63  }
0x34: {  	v3 =	vld [tilespmem:$0x30];
	_ =	sdelay $0x4  }
0x35: {  	v35 =	vshll.u32 v3, $0x1  }
0x36: {  	v3 =	vand.u32 $0x7, v3;
	v4 =	vand.u32 $0xFFFFFFF0, v35  }
0x37: {  	v3 =	vor.u32 v3, v4  }
0x38: {  	v4 =	vperm.xlane v3, v0;
	_ =	sdelay $0x1  }
0x39: {  	v3 =	vperm.xlane v3, v2;
	v4 =	vadd.s32 v1, v4;
	_ =	sdelay $0x1  }
0x3a: {  	v3 =	vadd.s32 v1, v3;
	_ =	sdelay $0x2  }
0x3b: {  	[tilespmem:s17], [sflag:$0x1] =	stream.indirect_vreg.gather [hbm4b:s1+s3], $0x80, v4, vm0, $0xb8;
	[tilespmem:$0x8200] =	vst v63  }
0x3c: {  	_ = 	snop  }
0x3d: {  	[tilespmem:s18], [sflag:$0x1] =	stream.indirect_vreg.gather [hbm4b:s1+s3], $0x80, v3, vm0, $0xb8;
	[tilespmem:$0x8200] =	vst v63  }
0x3e: {  	v3 =	vld [tilespmem:$0x40];
	_ =	sdelay $0x4  }
0x3f: {  	v36 =	vshll.u32 v3, $0x1  }
0x40: {  	v3 =	vand.u32 $0x7, v3;
	v4 =	vand.u32 $0xFFFFFFF0, v36  }
0x41: {  	v3 =	vor.u32 v3, v4  }
0x42: {  	v4 =	vperm.xlane v3, v0;
	_ =	sdelay $0x1  }
0x43: {  	v3 =	vperm.xlane v3, v2;
	v4 =	vadd.s32 v1, v4;
	_ =	sdelay $0x1  }
0x44: {  	v3 =	vadd.s32 v1, v3;
	_ =	sdelay $0x2  }
0x45: {  	[tilespmem:s19], [sflag:$0x1] =	stream.indirect_vreg.gather [hbm4b:s1+s3], $0x80, v4, vm0, $0xb8;
	[tilespmem:$0x8200] =	vst v63  }
0x46: {  	_ = 	snop  }
0x47: {  	[tilespmem:s20], [sflag:$0x1] =	stream.indirect_vreg.gather [hbm4b:s1+s3], $0x80, v3, vm0, $0xb8;
	[tilespmem:$0x8200] =	vst v63  }
0x48: {  	v3 =	vld [tilespmem:$0x50];
	_ =	sdelay $0x4  }
0x49: {  	v37 =	vshll.u32 v3, $0x1  }
0x4a: {  	v3 =	vand.u32 $0x7, v3;
	v4 =	vand.u32 $0xFFFFFFF0, v37  }
0x4b: {  	v3 =	vor.u32 v3, v4  }
0x4c: {  	v4 =	vperm.xlane v3, v0;
	_ =	sdelay $0x1  }
0x4d: {  	v3 =	vperm.xlane v3, v2;
	v4 =	vadd.s32 v1, v4;
	_ =	sdelay $0x1  }
0x4e: {  	v3 =	vadd.s32 v1, v3;
	_ =	sdelay $0x2  }
0x4f: {  	[tilespmem:s21], [sflag:$0x1] =	stream.indirect_vreg.gather [hbm4b:s1+s3], $0x80, v4, vm0, $0xb8;
	[tilespmem:$0x8200] =	vst v63  }
0x50: {  	_ = 	snop  }
0x51: {  	[tilespmem:s22], [sflag:$0x1] =	stream.indirect_vreg.gather [hbm4b:s1+s3], $0x80, v3, vm0, $0xb8;
	[tilespmem:$0x8200] =	vst v63  }
0x52: {  	v3 =	vld [tilespmem:$0x60];
	_ =	sdelay $0x4  }
0x53: {  	v38 =	vshll.u32 v3, $0x1  }
0x54: {  	v3 =	vand.u32 $0x7, v3;
	v4 =	vand.u32 $0xFFFFFFF0, v38  }
0x55: {  	v3 =	vor.u32 v3, v4  }
0x56: {  	v4 =	vperm.xlane v3, v0;
	_ =	sdelay $0x1  }
0x57: {  	v3 =	vperm.xlane v3, v2;
	v4 =	vadd.s32 v1, v4;
	_ =	sdelay $0x1  }
0x58: {  	v3 =	vadd.s32 v1, v3;
	_ =	sdelay $0x2  }
0x59: {  	[tilespmem:s23], [sflag:$0x1] =	stream.indirect_vreg.gather [hbm4b:s1+s3], $0x80, v4, vm0, $0xb8;
	[tilespmem:$0x8200] =	vst v63  }
0x5a: {  	_ = 	snop  }
0x5b: {  	[tilespmem:s24], [sflag:$0x1] =	stream.indirect_vreg.gather [hbm4b:s1+s3], $0x80, v3, vm0, $0xb8;
	[tilespmem:$0x8200] =	vst v63  }
0x5c: {  	v3 =	vld [tilespmem:$0x70];
	_ =	sdelay $0x4  }
0x5d: {  	v39 =	vshll.u32 v3, $0x1  }
0x5e: {  	v3 =	vand.u32 $0x7, v3;
	v4 =	vand.u32 $0xFFFFFFF0, v39  }
0x5f: {  	v3 =	vor.u32 v3, v4  }
0x60: {  	v4 =	vperm.xlane v3, v0;
	_ =	sdelay $0x1  }
0x61: {  	v3 =	vperm.xlane v3, v2;
	v4 =	vadd.s32 v1, v4;
	_ =	sdelay $0x1  }
0x62: {  	v3 =	vadd.s32 v1, v3;
	_ =	sdelay $0x2  }
0x63: {  	[tilespmem:s25], [sflag:$0x1] =	stream.indirect_vreg.gather [hbm4b:s1+s3], $0x80, v4, vm0, $0xb8;
	[tilespmem:$0x8200] =	vst v63  }
0x64: {  	_ = 	snop  }
0x65: {  	[tilespmem:s26], [sflag:$0x1] =	stream.indirect_vreg.gather [hbm4b:s1+s3], $0x80, v3, vm0, $0xb8;
	[tilespmem:$0x8200] =	vst v63  }
0x66: {  	_ =	swait.ge [sflag:s28], $0x8000  }
0x67: {  	[sflag:s28] =	ssyncset.done $0x0  }
0x68: {  	[sflag:s28] =	ssyncadd.s32 $0xFFFF8000  }
0x69: {  	[hbm4b:s4+s3] =	stream.linear.scatter [tilespmem:s11], [sflag:$0x2], $0x8000, $0x38;
	[tilespmem:$0x8200] =	vst v63  }
0x6a: {  	_ =	swait.ge [sflag:s10], $0x8000  }
0x6b: {  	[sflag:s10] =	ssyncset.done $0x0  }
0x6c: {  	[sflag:s10] =	ssyncadd.s32 $0xFFFF8000  }
0x6d: {  	v3 =	vld [tilespmem:$0x80];
	_ =	sdelay $0x4  }
0x6e: {  	v40 =	vshll.u32 v3, $0x1  }
0x6f: {  	v3 =	vand.u32 $0x7, v3;
	v4 =	vand.u32 $0xFFFFFFF0, v40  }
0x70: {  	v3 =	vor.u32 v3, v4  }
0x71: {  	v4 =	vperm.xlane v3, v0;
	_ =	sdelay $0x1  }
0x72: {  	v3 =	vperm.xlane v3, v2;
	v4 =	vadd.s32 v1, v4;
	_ =	sdelay $0x1  }
0x73: {  	v3 =	vadd.s32 v1, v3;
	_ =	sdelay $0x2  }
0x74: {  	[tilespmem:s11], [sflag:$0x1] =	stream.indirect_vreg.gather [hbm4b:s1+s3], $0x80, v4, vm0, $0xb8;
	[tilespmem:$0x8200] =	vst v63  }
0x75: {  	_ = 	snop  }
0x76: {  	[tilespmem:s12], [sflag:$0x1] =	stream.indirect_vreg.gather [hbm4b:s1+s3], $0x80, v3, vm0, $0xb8;
	[tilespmem:$0x8200] =	vst v63  }
0x77: {  	v3 =	vld [tilespmem:$0x90];
	_ =	sdelay $0x4  }
0x78: {  	v41 =	vshll.u32 v3, $0x1  }
0x79: {  	v3 =	vand.u32 $0x7, v3;
	v4 =	vand.u32 $0xFFFFFFF0, v41  }
0x7a: {  	v3 =	vor.u32 v3, v4  }
0x7b: {  	v4 =	vperm.xlane v3, v0;
	_ =	sdelay $0x1  }
0x7c: {  	v3 =	vperm.xlane v3, v2;
	v4 =	vadd.s32 v1, v4;
	_ =	sdelay $0x1  }
0x7d: {  	v3 =	vadd.s32 v1, v3;
	_ =	sdelay $0x2  }
0x7e: {  	[tilespmem:s13], [sflag:$0x1] =	stream.indirect_vreg.gather [hbm4b:s1+s3], $0x80, v4, vm0, $0xb8;
	[tilespmem:$0x8200] =	vst v63  }
0x7f: {  	_ = 	snop  }
0x80: {  	[tilespmem:s14], [sflag:$0x1] =	stream.indirect_vreg.gather [hbm4b:s1+s3], $0x80, v3, vm0, $0xb8;
	[tilespmem:$0x8200] =	vst v63  }
0x81: {  	v3 =	vld [tilespmem:$0xA0];
	_ =	sdelay $0x4  }
0x82: {  	v42 =	vshll.u32 v3, $0x1  }
0x83: {  	v3 =	vand.u32 $0x7, v3;
	v4 =	vand.u32 $0xFFFFFFF0, v42  }
0x84: {  	v3 =	vor.u32 v3, v4  }
0x85: {  	v4 =	vperm.xlane v3, v0;
	_ =	sdelay $0x1  }
0x86: {  	v3 =	vperm.xlane v3, v2;
	v4 =	vadd.s32 v1, v4;
	_ =	sdelay $0x1  }
0x87: {  	v3 =	vadd.s32 v1, v3;
	_ =	sdelay $0x2  }
0x88: {  	[tilespmem:s15], [sflag:$0x1] =	stream.indirect_vreg.gather [hbm4b:s1+s3], $0x80, v4, vm0, $0xb8;
	[tilespmem:$0x8200] =	vst v63  }
0x89: {  	_ = 	snop  }
0x8a: {  	[tilespmem:s16], [sflag:$0x1] =	stream.indirect_vreg.gather [hbm4b:s1+s3], $0x80, v3, vm0, $0xb8;
	[tilespmem:$0x8200] =	vst v63  }
0x8b: {  	v3 =	vld [tilespmem:$0xB0];
	_ =	sdelay $0x4  }
0x8c: {  	v43 =	vshll.u32 v3, $0x1  }
0x8d: {  	v3 =	vand.u32 $0x7, v3;
	v4 =	vand.u32 $0xFFFFFFF0, v43  }
0x8e: {  	v3 =	vor.u32 v3, v4  }
0x8f: {  	v4 =	vperm.xlane v3, v0;
	_ =	sdelay $0x1  }
0x90: {  	v3 =	vperm.xlane v3, v2;
	v4 =	vadd.s32 v1, v4;
	_ =	sdelay $0x1  }
0x91: {  	v3 =	vadd.s32 v1, v3;
	_ =	sdelay $0x2  }
0x92: {  	[tilespmem:s17], [sflag:$0x1] =	stream.indirect_vreg.gather [hbm4b:s1+s3], $0x80, v4, vm0, $0xb8;
	[tilespmem:$0x8200] =	vst v63  }
0x93: {  	_ = 	snop  }
0x94: {  	[tilespmem:s18], [sflag:$0x1] =	stream.indirect_vreg.gather [hbm4b:s1+s3], $0x80, v3, vm0, $0xb8;
	[tilespmem:$0x8200] =	vst v63  }
0x95: {  	v3 =	vld [tilespmem:$0xC0];
	_ =	sdelay $0x4  }
0x96: {  	v44 =	vshll.u32 v3, $0x1  }
0x97: {  	v3 =	vand.u32 $0x7, v3;
	v4 =	vand.u32 $0xFFFFFFF0, v44  }
0x98: {  	v3 =	vor.u32 v3, v4  }
0x99: {  	v4 =	vperm.xlane v3, v0;
	_ =	sdelay $0x1  }
0x9a: {  	v3 =	vperm.xlane v3, v2;
	v4 =	vadd.s32 v1, v4;
	_ =	sdelay $0x1  }
0x9b: {  	v3 =	vadd.s32 v1, v3;
	_ =	sdelay $0x2  }
0x9c: {  	[tilespmem:s19], [sflag:$0x1] =	stream.indirect_vreg.gather [hbm4b:s1+s3], $0x80, v4, vm0, $0xb8;
	[tilespmem:$0x8200] =	vst v63  }
0x9d: {  	_ = 	snop  }
0x9e: {  	[tilespmem:s20], [sflag:$0x1] =	stream.indirect_vreg.gather [hbm4b:s1+s3], $0x80, v3, vm0, $0xb8;
	[tilespmem:$0x8200] =	vst v63  }
0x9f: {  	v3 =	vld [tilespmem:$0xD0];
	_ =	sdelay $0x4  }
0xa0: {  	v45 =	vshll.u32 v3, $0x1  }
0xa1: {  	v3 =	vand.u32 $0x7, v3;
	v4 =	vand.u32 $0xFFFFFFF0, v45  }
0xa2: {  	v3 =	vor.u32 v3, v4  }
0xa3: {  	v4 =	vperm.xlane v3, v0;
	_ =	sdelay $0x1  }
0xa4: {  	v3 =	vperm.xlane v3, v2;
	v4 =	vadd.s32 v1, v4;
	_ =	sdelay $0x1  }
0xa5: {  	v3 =	vadd.s32 v1, v3;
	_ =	sdelay $0x2  }
0xa6: {  	[tilespmem:s21], [sflag:$0x1] =	stream.indirect_vreg.gather [hbm4b:s1+s3], $0x80, v4, vm0, $0xb8;
	[tilespmem:$0x8200] =	vst v63  }
0xa7: {  	_ = 	snop  }
0xa8: {  	[tilespmem:s22], [sflag:$0x1] =	stream.indirect_vreg.gather [hbm4b:s1+s3], $0x80, v3, vm0, $0xb8;
	[tilespmem:$0x8200] =	vst v63  }
0xa9: {  	v3 =	vld [tilespmem:$0xE0];
	_ =	sdelay $0x4  }
0xaa: {  	v46 =	vshll.u32 v3, $0x1  }
0xab: {  	v3 =	vand.u32 $0x7, v3;
	v4 =	vand.u32 $0xFFFFFFF0, v46  }
0xac: {  	v3 =	vor.u32 v3, v4  }
0xad: {  	v4 =	vperm.xlane v3, v0;
	_ =	sdelay $0x1  }
0xae: {  	v3 =	vperm.xlane v3, v2;
	v4 =	vadd.s32 v1, v4;
	_ =	sdelay $0x1  }
0xaf: {  	v3 =	vadd.s32 v1, v3;
	_ =	sdelay $0x2  }
0xb0: {  	[tilespmem:s23], [sflag:$0x1] =	stream.indirect_vreg.gather [hbm4b:s1+s3], $0x80, v4, vm0, $0xb8;
	[tilespmem:$0x8200] =	vst v63  }
0xb1: {  	_ = 	snop  }
0xb2: {  	[tilespmem:s24], [sflag:$0x1] =	stream.indirect_vreg.gather [hbm4b:s1+s3], $0x80, v3, vm0, $0xb8;
	[tilespmem:$0x8200] =	vst v63  }
0xb3: {  	v3 =	vld [tilespmem:$0xF0];
	_ =	sdelay $0x4  }
0xb4: {  	v47 =	vshll.u32 v3, $0x1  }
0xb5: {  	v3 =	vand.u32 $0x7, v3;
	v4 =	vand.u32 $0xFFFFFFF0, v47  }
0xb6: {  	v3 =	vor.u32 v3, v4  }
0xb7: {  	v4 =	vperm.xlane v3, v0;
	_ =	sdelay $0x1  }
0xb8: {  	v3 =	vperm.xlane v3, v2;
	v4 =	vadd.s32 v1, v4;
	_ =	sdelay $0x1  }
0xb9: {  	v3 =	vadd.s32 v1, v3;
	_ =	sdelay $0x2  }
0xba: {  	[tilespmem:s25], [sflag:$0x1] =	stream.indirect_vreg.gather [hbm4b:s1+s3], $0x80, v4, vm0, $0xb8;
	[tilespmem:$0x8200] =	vst v63  }
0xbb: {  	_ = 	snop  }
0xbc: {  	[tilespmem:s26], [sflag:$0x1] =	stream.indirect_vreg.gather [hbm4b:s1+s3], $0x80, v3, vm0, $0xb8;
	[tilespmem:$0x8200] =	vst v63  }
0xbd: {  	_ =	swait.ge [sflag:s28], $0x8000  }
0xbe: {  	[sflag:s28] =	ssyncset.done $0x0  }
0xbf: {  	[sflag:s28] =	ssyncadd.s32 $0xFFFF8000  }
0xc0: {  	[hbm4b:s6+s3] =	stream.linear.scatter [tilespmem:s11], [sflag:$0x2], $0x8000, $0x38;
	[tilespmem:$0x8200] =	vst v63  }
0xc1: {  	_ =	swait.ge [sflag:s10], $0x8000  }
0xc2: {  	[sflag:s10] =	ssyncset.done $0x0  }
0xc3: {  	[sflag:s10] =	ssyncadd.s32 $0xFFFF8000  }
0xc4: {  	v3 =	vld [tilespmem:$0x100];
	_ =	sdelay $0x4  }
0xc5: {  	v48 =	vshll.u32 v3, $0x1  }
0xc6: {  	v3 =	vand.u32 $0x7, v3;
	v4 =	vand.u32 $0xFFFFFFF0, v48  }
0xc7: {  	v3 =	vor.u32 v3, v4  }
0xc8: {  	v4 =	vperm.xlane v3, v0;
	_ =	sdelay $0x1  }
0xc9: {  	v3 =	vperm.xlane v3, v2;
	v4 =	vadd.s32 v1, v4;
	_ =	sdelay $0x1  }
0xca: {  	v3 =	vadd.s32 v1, v3;
	_ =	sdelay $0x2  }
0xcb: {  	[tilespmem:s11], [sflag:$0x1] =	stream.indirect_vreg.gather [hbm4b:s1+s3], $0x80, v4, vm0, $0xb8;
	[tilespmem:$0x8200] =	vst v63  }
0xcc: {  	_ = 	snop  }
0xcd: {  	[tilespmem:s12], [sflag:$0x1] =	stream.indirect_vreg.gather [hbm4b:s1+s3], $0x80, v3, vm0, $0xb8;
	[tilespmem:$0x8200] =	vst v63  }
0xce: {  	v3 =	vld [tilespmem:$0x110];
	_ =	sdelay $0x4  }
0xcf: {  	v49 =	vshll.u32 v3, $0x1  }
0xd0: {  	v3 =	vand.u32 $0x7, v3;
	v4 =	vand.u32 $0xFFFFFFF0, v49  }
0xd1: {  	v3 =	vor.u32 v3, v4  }
0xd2: {  	v4 =	vperm.xlane v3, v0;
	_ =	sdelay $0x1  }
0xd3: {  	v3 =	vperm.xlane v3, v2;
	v4 =	vadd.s32 v1, v4;
	_ =	sdelay $0x1  }
0xd4: {  	v3 =	vadd.s32 v1, v3;
	_ =	sdelay $0x2  }
0xd5: {  	[tilespmem:s13], [sflag:$0x1] =	stream.indirect_vreg.gather [hbm4b:s1+s3], $0x80, v4, vm0, $0xb8;
	[tilespmem:$0x8200] =	vst v63  }
0xd6: {  	_ = 	snop  }
0xd7: {  	[tilespmem:s14], [sflag:$0x1] =	stream.indirect_vreg.gather [hbm4b:s1+s3], $0x80, v3, vm0, $0xb8;
	[tilespmem:$0x8200] =	vst v63  }
0xd8: {  	v3 =	vld [tilespmem:$0x120];
	_ =	sdelay $0x4  }
0xd9: {  	v50 =	vshll.u32 v3, $0x1  }
0xda: {  	v3 =	vand.u32 $0x7, v3;
	v4 =	vand.u32 $0xFFFFFFF0, v50  }
0xdb: {  	v3 =	vor.u32 v3, v4  }
0xdc: {  	v4 =	vperm.xlane v3, v0;
	_ =	sdelay $0x1  }
0xdd: {  	v3 =	vperm.xlane v3, v2;
	v4 =	vadd.s32 v1, v4;
	_ =	sdelay $0x1  }
0xde: {  	v3 =	vadd.s32 v1, v3;
	_ =	sdelay $0x2  }
0xdf: {  	[tilespmem:s15], [sflag:$0x1] =	stream.indirect_vreg.gather [hbm4b:s1+s3], $0x80, v4, vm0, $0xb8;
	[tilespmem:$0x8200] =	vst v63  }
0xe0: {  	_ = 	snop  }
0xe1: {  	[tilespmem:s16], [sflag:$0x1] =	stream.indirect_vreg.gather [hbm4b:s1+s3], $0x80, v3, vm0, $0xb8;
	[tilespmem:$0x8200] =	vst v63  }
0xe2: {  	v3 =	vld [tilespmem:$0x130];
	_ =	sdelay $0x4  }
0xe3: {  	v51 =	vshll.u32 v3, $0x1  }
0xe4: {  	v3 =	vand.u32 $0x7, v3;
	v4 =	vand.u32 $0xFFFFFFF0, v51  }
0xe5: {  	v3 =	vor.u32 v3, v4  }
0xe6: {  	v4 =	vperm.xlane v3, v0;
	_ =	sdelay $0x1  }
0xe7: {  	v3 =	vperm.xlane v3, v2;
	v4 =	vadd.s32 v1, v4;
	_ =	sdelay $0x1  }
0xe8: {  	v3 =	vadd.s32 v1, v3;
	_ =	sdelay $0x2  }
0xe9: {  	[tilespmem:s17], [sflag:$0x1] =	stream.indirect_vreg.gather [hbm4b:s1+s3], $0x80, v4, vm0, $0xb8;
	[tilespmem:$0x8200] =	vst v63  }
0xea: {  	_ = 	snop  }
0xeb: {  	[tilespmem:s18], [sflag:$0x1] =	stream.indirect_vreg.gather [hbm4b:s1+s3], $0x80, v3, vm0, $0xb8;
	[tilespmem:$0x8200] =	vst v63  }
0xec: {  	v3 =	vld [tilespmem:$0x140];
	_ =	sdelay $0x4  }
0xed: {  	v52 =	vshll.u32 v3, $0x1  }
0xee: {  	v3 =	vand.u32 $0x7, v3;
	v4 =	vand.u32 $0xFFFFFFF0, v52  }
0xef: {  	v3 =	vor.u32 v3, v4  }
0xf0: {  	v4 =	vperm.xlane v3, v0;
	_ =	sdelay $0x1  }
0xf1: {  	v3 =	vperm.xlane v3, v2;
	v4 =	vadd.s32 v1, v4;
	_ =	sdelay $0x1  }
0xf2: {  	v3 =	vadd.s32 v1, v3;
	_ =	sdelay $0x2  }
0xf3: {  	[tilespmem:s19], [sflag:$0x1] =	stream.indirect_vreg.gather [hbm4b:s1+s3], $0x80, v4, vm0, $0xb8;
	[tilespmem:$0x8200] =	vst v63  }
0xf4: {  	_ = 	snop  }
0xf5: {  	[tilespmem:s20], [sflag:$0x1] =	stream.indirect_vreg.gather [hbm4b:s1+s3], $0x80, v3, vm0, $0xb8;
	[tilespmem:$0x8200] =	vst v63  }
0xf6: {  	v3 =	vld [tilespmem:$0x150];
	_ =	sdelay $0x4  }
0xf7: {  	v53 =	vshll.u32 v3, $0x1  }
0xf8: {  	v3 =	vand.u32 $0x7, v3;
	v4 =	vand.u32 $0xFFFFFFF0, v53  }
0xf9: {  	v3 =	vor.u32 v3, v4  }
0xfa: {  	v4 =	vperm.xlane v3, v0;
	_ =	sdelay $0x1  }
0xfb: {  	v3 =	vperm.xlane v3, v2;
	v4 =	vadd.s32 v1, v4;
	_ =	sdelay $0x1  }
0xfc: {  	v3 =	vadd.s32 v1, v3;
	_ =	sdelay $0x2  }
0xfd: {  	[tilespmem:s21], [sflag:$0x1] =	stream.indirect_vreg.gather [hbm4b:s1+s3], $0x80, v4, vm0, $0xb8;
	[tilespmem:$0x8200] =	vst v63  }
0xfe: {  	_ = 	snop  }
0xff: {  	[tilespmem:s22], [sflag:$0x1] =	stream.indirect_vreg.gather [hbm4b:s1+s3], $0x80, v3, vm0, $0xb8;
	[tilespmem:$0x8200] =	vst v63  }
0x100: {  	v3 =	vld [tilespmem:$0x160];
	_ =	sdelay $0x4  }
0x101: {  	v54 =	vshll.u32 v3, $0x1  }
0x102: {  	v3 =	vand.u32 $0x7, v3;
	v4 =	vand.u32 $0xFFFFFFF0, v54  }
0x103: {  	v3 =	vor.u32 v3, v4  }
0x104: {  	v4 =	vperm.xlane v3, v0;
	_ =	sdelay $0x1  }
0x105: {  	v3 =	vperm.xlane v3, v2;
	v4 =	vadd.s32 v1, v4;
	_ =	sdelay $0x1  }
0x106: {  	v3 =	vadd.s32 v1, v3;
	_ =	sdelay $0x2  }
0x107: {  	[tilespmem:s23], [sflag:$0x1] =	stream.indirect_vreg.gather [hbm4b:s1+s3], $0x80, v4, vm0, $0xb8;
	[tilespmem:$0x8200] =	vst v63  }
0x108: {  	_ = 	snop  }
0x109: {  	[tilespmem:s24], [sflag:$0x1] =	stream.indirect_vreg.gather [hbm4b:s1+s3], $0x80, v3, vm0, $0xb8;
	[tilespmem:$0x8200] =	vst v63  }
0x10a: {  	v3 =	vld [tilespmem:$0x170];
	_ =	sdelay $0x4  }
0x10b: {  	v55 =	vshll.u32 v3, $0x1  }
0x10c: {  	v3 =	vand.u32 $0x7, v3;
	v4 =	vand.u32 $0xFFFFFFF0, v55  }
0x10d: {  	v3 =	vor.u32 v3, v4  }
0x10e: {  	v4 =	vperm.xlane v3, v0;
	_ =	sdelay $0x1  }
0x10f: {  	v3 =	vperm.xlane v3, v2;
	v4 =	vadd.s32 v1, v4;
	_ =	sdelay $0x1  }
0x110: {  	v3 =	vadd.s32 v1, v3;
	_ =	sdelay $0x2  }
0x111: {  	[tilespmem:s25], [sflag:$0x1] =	stream.indirect_vreg.gather [hbm4b:s1+s3], $0x80, v4, vm0, $0xb8;
	[tilespmem:$0x8200] =	vst v63  }
0x112: {  	_ = 	snop  }
0x113: {  	[tilespmem:s26], [sflag:$0x1] =	stream.indirect_vreg.gather [hbm4b:s1+s3], $0x80, v3, vm0, $0xb8;
	[tilespmem:$0x8200] =	vst v63  }
0x114: {  	_ =	swait.ge [sflag:s28], $0x8000  }
0x115: {  	[sflag:s28] =	ssyncset.done $0x0  }
0x116: {  	[sflag:s28] =	ssyncadd.s32 $0xFFFF8000  }
0x117: {  	[hbm4b:s7+s3] =	stream.linear.scatter [tilespmem:s11], [sflag:$0x2], $0x8000, $0x38;
	[tilespmem:$0x8200] =	vst v63  }
0x118: {  	_ =	swait.ge [sflag:s10], $0x8000  }
0x119: {  	[sflag:s10] =	ssyncset.done $0x0  }
0x11a: {  	[sflag:s10] =	ssyncadd.s32 $0xFFFF8000  }
0x11b: {  	v3 =	vld [tilespmem:$0x180];
	_ =	sdelay $0x4  }
0x11c: {  	v56 =	vshll.u32 v3, $0x1  }
0x11d: {  	v3 =	vand.u32 $0x7, v3;
	v4 =	vand.u32 $0xFFFFFFF0, v56  }
0x11e: {  	v3 =	vor.u32 v3, v4  }
0x11f: {  	v4 =	vperm.xlane v3, v0;
	_ =	sdelay $0x1  }
0x120: {  	v3 =	vperm.xlane v3, v2;
	v4 =	vadd.s32 v1, v4;
	_ =	sdelay $0x1  }
0x121: {  	v3 =	vadd.s32 v1, v3;
	_ =	sdelay $0x2  }
0x122: {  	[tilespmem:s11], [sflag:$0x1] =	stream.indirect_vreg.gather [hbm4b:s1+s3], $0x80, v4, vm0, $0xb8;
	[tilespmem:$0x8200] =	vst v63  }
0x123: {  	_ = 	snop  }
0x124: {  	[tilespmem:s12], [sflag:$0x1] =	stream.indirect_vreg.gather [hbm4b:s1+s3], $0x80, v3, vm0, $0xb8;
	[tilespmem:$0x8200] =	vst v63  }
0x125: {  	v3 =	vld [tilespmem:$0x190];
	_ =	sdelay $0x4  }
0x126: {  	v57 =	vshll.u32 v3, $0x1  }
0x127: {  	v3 =	vand.u32 $0x7, v3;
	v4 =	vand.u32 $0xFFFFFFF0, v57  }
0x128: {  	v3 =	vor.u32 v3, v4  }
0x129: {  	v4 =	vperm.xlane v3, v0;
	_ =	sdelay $0x1  }
0x12a: {  	v3 =	vperm.xlane v3, v2;
	v4 =	vadd.s32 v1, v4;
	_ =	sdelay $0x1  }
0x12b: {  	v3 =	vadd.s32 v1, v3;
	_ =	sdelay $0x2  }
0x12c: {  	[tilespmem:s13], [sflag:$0x1] =	stream.indirect_vreg.gather [hbm4b:s1+s3], $0x80, v4, vm0, $0xb8;
	[tilespmem:$0x8200] =	vst v63  }
0x12d: {  	_ = 	snop  }
0x12e: {  	[tilespmem:s14], [sflag:$0x1] =	stream.indirect_vreg.gather [hbm4b:s1+s3], $0x80, v3, vm0, $0xb8;
	[tilespmem:$0x8200] =	vst v63  }
0x12f: {  	v3 =	vld [tilespmem:$0x1A0];
	_ =	sdelay $0x4  }
0x130: {  	v58 =	vshll.u32 v3, $0x1  }
0x131: {  	v3 =	vand.u32 $0x7, v3;
	v4 =	vand.u32 $0xFFFFFFF0, v58  }
0x132: {  	v3 =	vor.u32 v3, v4  }
0x133: {  	v4 =	vperm.xlane v3, v0;
	_ =	sdelay $0x1  }
0x134: {  	v3 =	vperm.xlane v3, v2;
	v4 =	vadd.s32 v1, v4;
	_ =	sdelay $0x1  }
0x135: {  	v3 =	vadd.s32 v1, v3;
	_ =	sdelay $0x2  }
0x136: {  	[tilespmem:s15], [sflag:$0x1] =	stream.indirect_vreg.gather [hbm4b:s1+s3], $0x80, v4, vm0, $0xb8;
	[tilespmem:$0x8200] =	vst v63  }
0x137: {  	_ = 	snop  }
0x138: {  	[tilespmem:s16], [sflag:$0x1] =	stream.indirect_vreg.gather [hbm4b:s1+s3], $0x80, v3, vm0, $0xb8;
	[tilespmem:$0x8200] =	vst v63  }
0x139: {  	v3 =	vld [tilespmem:$0x1B0];
	_ =	sdelay $0x4  }
0x13a: {  	v59 =	vshll.u32 v3, $0x1  }
0x13b: {  	v3 =	vand.u32 $0x7, v3;
	v4 =	vand.u32 $0xFFFFFFF0, v59  }
0x13c: {  	v3 =	vor.u32 v3, v4  }
0x13d: {  	v4 =	vperm.xlane v3, v0;
	_ =	sdelay $0x1  }
0x13e: {  	v3 =	vperm.xlane v3, v2;
	v4 =	vadd.s32 v1, v4;
	_ =	sdelay $0x1  }
0x13f: {  	v3 =	vadd.s32 v1, v3;
	_ =	sdelay $0x2  }
0x140: {  	[tilespmem:s17], [sflag:$0x1] =	stream.indirect_vreg.gather [hbm4b:s1+s3], $0x80, v4, vm0, $0xb8;
	[tilespmem:$0x8200] =	vst v63  }
0x141: {  	_ = 	snop  }
0x142: {  	[tilespmem:s18], [sflag:$0x1] =	stream.indirect_vreg.gather [hbm4b:s1+s3], $0x80, v3, vm0, $0xb8;
	[tilespmem:$0x8200] =	vst v63  }
0x143: {  	v3 =	vld [tilespmem:$0x1C0];
	_ =	sdelay $0x4  }
0x144: {  	v60 =	vshll.u32 v3, $0x1  }
0x145: {  	v3 =	vand.u32 $0x7, v3;
	v4 =	vand.u32 $0xFFFFFFF0, v60  }
0x146: {  	v3 =	vor.u32 v3, v4  }
0x147: {  	v4 =	vperm.xlane v3, v0;
	_ =	sdelay $0x1  }
0x148: {  	v3 =	vperm.xlane v3, v2;
	v4 =	vadd.s32 v1, v4;
	_ =	sdelay $0x1  }
0x149: {  	v3 =	vadd.s32 v1, v3;
	_ =	sdelay $0x2  }
0x14a: {  	[tilespmem:s19], [sflag:$0x1] =	stream.indirect_vreg.gather [hbm4b:s1+s3], $0x80, v4, vm0, $0xb8;
	[tilespmem:$0x8200] =	vst v63  }
0x14b: {  	_ = 	snop  }
0x14c: {  	[tilespmem:s20], [sflag:$0x1] =	stream.indirect_vreg.gather [hbm4b:s1+s3], $0x80, v3, vm0, $0xb8;
	[tilespmem:$0x8200] =	vst v63  }
0x14d: {  	v3 =	vld [tilespmem:$0x1D0];
	_ =	sdelay $0x4  }
0x14e: {  	v61 =	vshll.u32 v3, $0x1  }
0x14f: {  	v3 =	vand.u32 $0x7, v3;
	v4 =	vand.u32 $0xFFFFFFF0, v61  }
0x150: {  	v3 =	vor.u32 v3, v4  }
0x151: {  	v4 =	vperm.xlane v3, v0;
	_ =	sdelay $0x1  }
0x152: {  	v3 =	vperm.xlane v3, v2;
	v4 =	vadd.s32 v1, v4;
	_ =	sdelay $0x1  }
0x153: {  	v3 =	vadd.s32 v1, v3;
	_ =	sdelay $0x2  }
0x154: {  	[tilespmem:s21], [sflag:$0x1] =	stream.indirect_vreg.gather [hbm4b:s1+s3], $0x80, v4, vm0, $0xb8;
	[tilespmem:$0x8200] =	vst v63  }
0x155: {  	_ = 	snop  }
0x156: {  	[tilespmem:s22], [sflag:$0x1] =	stream.indirect_vreg.gather [hbm4b:s1+s3], $0x80, v3, vm0, $0xb8;
	[tilespmem:$0x8200] =	vst v63  }
0x157: {  	v3 =	vld [tilespmem:$0x1E0];
	_ =	sdelay $0x4  }
0x158: {  	v62 =	vshll.u32 v3, $0x1  }
0x159: {  	v3 =	vand.u32 $0x7, v3;
	v4 =	vand.u32 $0xFFFFFFF0, v62  }
0x15a: {  	v3 =	vor.u32 v3, v4  }
0x15b: {  	v4 =	vperm.xlane v3, v0;
	_ =	sdelay $0x1  }
0x15c: {  	v3 =	vperm.xlane v3, v2;
	v4 =	vadd.s32 v1, v4;
	_ =	sdelay $0x1  }
0x15d: {  	v3 =	vadd.s32 v1, v3;
	_ =	sdelay $0x2  }
0x15e: {  	[tilespmem:s23], [sflag:$0x1] =	stream.indirect_vreg.gather [hbm4b:s1+s3], $0x80, v4, vm0, $0xb8;
	[tilespmem:$0x8200] =	vst v63  }
0x15f: {  	_ = 	snop  }
0x160: {  	[tilespmem:s24], [sflag:$0x1] =	stream.indirect_vreg.gather [hbm4b:s1+s3], $0x80, v3, vm0, $0xb8;
	[tilespmem:$0x8200] =	vst v63  }
0x161: {  	v3 =	vld [tilespmem:$0x1F0];
	_ =	sdelay $0x4  }
0x162: {  	v63 =	vshll.u32 v3, $0x1  }
0x163: {  	v3 =	vand.u32 $0x7, v3;
	v4 =	vand.u32 $0xFFFFFFF0, v63  }
0x164: {  	v3 =	vor.u32 v3, v4  }
0x165: {  	v4 =	vperm.xlane v3, v0;
	_ =	sdelay $0x1  }
0x166: {  	v3 =	vperm.xlane v3, v2;
	v4 =	vadd.s32 v1, v4;
	_ =	sdelay $0x1  }
0x167: {  	v3 =	vadd.s32 v1, v3;
	_ =	sdelay $0x2  }
0x168: {  	[tilespmem:s25], [sflag:$0x1] =	stream.indirect_vreg.gather [hbm4b:s1+s3], $0x80, v4, vm0, $0xb8;
	[tilespmem:$0x8200] =	vst v63  }
0x169: {  	_ = 	snop  }
0x16a: {  	[tilespmem:s26], [sflag:$0x1] =	stream.indirect_vreg.gather [hbm4b:s1+s3], $0x80, v3, vm0, $0xb8;
	[tilespmem:$0x8200] =	vst v63  }
0x16b: {  	_ =	swait.ge [sflag:s28], $0x8000  }
0x16c: {  	p0 =	sne.s32 s9, $0x1;
	[sflag:s28] =	ssyncset.done $0x0  }
.Ltmp0:
0x16d: {  	[sflag:s28] =	ssyncadd.s32 $0xFFFF8000;
	(pc) =	sbr.rel @p0 .LBB2_1-.Ltmp0, $4  }
0x16e: {  	[hbm4b:s8+s3] =	stream.linear.scatter [tilespmem:s11], [sflag:$0x2], $0x8000, $0x38;
	[tilespmem:$0x8200] =	vst v63  }
0x16f: {  	_ =	swait.ge [sflag:s10], $0x8000  }
0x170: {  	[sflag:s10] =	ssyncset.done $0x0  }
0x171: {  	s9 =	sadd.s32 $0xFFFFFFFF, s9;
	[sflag:s10] =	ssyncadd.s32 $0xFFFF8000  }
0x172: {  	_ =	sfence.sel $0x180000  }
0x173: {  	[bflag:$0x0] =	sbarrier.arrive $0xFFFF  }
0x174: {  	p0 =	sne.s32 s2, $0x0;
	_ =	strace $0x90000047  }
0x175: {  	s0 =	sadd.s32 @!p0 $0x100000, s0;
	[bflag:$0x2] =	sbarrier.arrive $0xFFFF  }
0x176: {  	[sflag:s0] =	ssyncadd.tile.s32 @!p0 $0x1;
	_ =	shalt  }
.Lfunc_end2:
_tile_overlayer_lowered:
.L_overlay_start_2:
0x177: {  	(tag) =	ssettag $0x2  }
0x178: {  	s0 =	rddreg [dreg:$0x0];
	s2 =	stileid.u32  }
0x179: {  	s1 =	rddreg [dreg:$0x1];
	p0 =	sne.s32 s2, $0x0  }
0x17a: {  	s3 =	rddreg [dreg:$0x2];
	[bflag:$0x3] =	sbarrier.arrive $0xFFFF;
	s2 =	simm.s32 @!p0 $0x1C02  }
0x17b: {  	[timem:s3], [sflag:s2] =	dma.local @!p0 [hbm:s0], s1  }
0x17c: {  	s0 =	simm.s32 @!p0 $0x2  }
0x17d: {  	_ =	swait.ge @!p0 [sflag:s0], s1  }
0x17e: {  	s1 =	ssub.s32 @!p0 $0x0, s1;
	[sflag:s0] =	ssyncset.done @!p0 $0x0  }
0x17f: {  	[sflag:s0] =	ssyncadd.s32 @!p0 s1  }
0x180: {  	[bflag:$0x3] =	sbarrier.arrive $0xFFFF  }
0x181: {  	_ =	shalt  }

</sc_bundles>
